<compile_context>
chip_gen: v7x
topology: tpu7x:2x2x1
jax: 0.10.2.dev20260603
libtpu: 0.0.44.dev20260713+nightly
codegen_flags: <defaults>
</compile_context>

<pallas_src>
import functools

import jax
import jax.numpy as jnp
from jax import lax
from jax.experimental import pallas as pl
from jax.experimental.pallas import tpu as pltpu
from jax.experimental.pallas import tpu_sc as plsc

K = 17
H = 128
W = 128
LANES = 16
CPR = W // LANES
INPUT_SIZE = 512
SCALE = float(INPUT_SIZE) / W
CONF_THRESHOLD = 0.8

_mesh = plsc.VectorSubcoreMesh(core_axis_name="c", subcore_axis_name="s")


@functools.partial(
    pl.kernel,
    out_type=jax.ShapeDtypeStruct((K, LANES), jnp.float32),
    mesh=_mesh,
    scratch_types=[
        pltpu.VMEM((4, H // 4, W), jnp.float32),
        pltpu.VMEM((LANES,), jnp.float32),
        pltpu.SemaphoreType.DMA,
        pltpu.SemaphoreType.DMA,
        pltpu.SemaphoreType.DMA,
        pltpu.SemaphoreType.DMA,
    ],
    compiler_params=pltpu.CompilerParams(needs_layout_passes=False),
)
def _decode_sc(x_hbm, out_hbm, xv, res_v, s0, s1, s2, s3):
    wid = lax.axis_index("c") * 16 + lax.axis_index("s")
    QR = H // 4

    def _process(kp):
        sems = (s0, s1, s2, s3)
        copies = [
            pltpu.async_copy(
                x_hbm.at[kp, pl.ds(q * QR, QR)], xv.at[q], sems[q]
            )
            for q in range(4)
        ]
        lane = lax.iota(jnp.int32, 16)

        vmax0 = jnp.full((LANES,), -jnp.inf, jnp.float32)
        vidx0 = jnp.zeros((LANES,), jnp.int32)

        accs = tuple((vmax0, vidx0) for _ in range(4))
        for q in range(4):
            copies[q].wait()

            def row_body_q(r, carry, q=q):
                accs = list(carry)
                rowbase = lane + (r + q * QR) * W
                for u in range(CPR):
                    a = u % 4
                    vmax, vidx = accs[a]
                    v = xv[q, r, pl.ds(u * LANES, LANES)]
                    m = v > vmax
                    accs[a] = (
                        jnp.where(m, v, vmax),
                        jnp.where(m, rowbase + u * LANES, vidx),
                    )
                return tuple(accs)

            accs = lax.fori_loop(0, QR, row_body_q, accs)

        (vmax, vidx) = accs[0]
        for a in range(1, 4):
            pm, pi = accs[a]
            take = (pm > vmax) | ((pm == vmax) & (pi < vidx))
            vmax = jnp.where(take, pm, vmax)
            vidx = jnp.where(take, pi, vidx)

        gmax = jnp.max(vmax)
        cand = jnp.where(vmax == gmax, vidx, jnp.int32(1 << 30))
        gidx = jnp.min(cand)

        gmax_v = jnp.full((LANES,), gmax, jnp.float32)
        gidx_v = jnp.full((LANES,), gidx, jnp.int32)
        conf_v = 1.0 / (1.0 + jnp.exp(-gmax_v))
        xx_v = (gidx_v % W).astype(jnp.float32) * SCALE
        yy_v = (gidx_v // W).astype(jnp.float32) * SCALE
        res = jnp.where(
            lane == 0,
            xx_v,
            jnp.where(lane == 1, yy_v, jnp.where(lane == 2, conf_v, -1.0)),
        )
        nodet = jnp.where(lane == 2, -1.0, -1.0 * SCALE)
        res = jnp.where(conf_v > CONF_THRESHOLD, res, nodet)
        res_v[...] = res
        pltpu.sync_copy(res_v, out_hbm.at[kp])

    @pl.when(wid < K)
    def _():
        _process(wid)


def kernel(x):
    out = _decode_sc(x[0])
    return out[:, :3]

# --- scband reference (transcript-rebuilt; emitter-appended) ---
"""Pipeline reference for scband-decode-sbp-6708738916374 (READ-ONLY COPY).

The authoritative reference and input builder live on the scoring server;
editing this copy changes nothing except your own understanding.
"""

import jax, jax.numpy as jnp
import numpy as np

INPUT_SIZE = 512
CONF_THRESHOLD = 0.8
PRED = True


def setup_inputs(seed: int = 0) -> dict:
    key = jax.random.key(seed)
    x = jax.random.normal(key, (1, 17, 128, 128), dtype=jnp.float32)
    return {"x": x}


def reference(x):
    # x: [1, K, H, W]
    assert x.shape[0] == 1
    output_size = x.shape[-1]
    if PRED:
        heatmaps = jax.nn.sigmoid(x)
    else:
        heatmaps = x
    hm = heatmaps[0]  # [K, H, W]
    K, H, W = hm.shape
    flat = hm.reshape(K, H * W)  # row-major, matches torch.where ordering
    mask = flat > CONF_THRESHOLD
    masked = jnp.where(mask, flat, -jnp.inf)
    # argmax over above-threshold confidences; first occurrence on ties,
    # same as torch.argmax over the where()-filtered list (row-major order)
    arg = jnp.argmax(masked, axis=1)  # [K]
    has_det = jnp.any(mask, axis=1)  # [K]
    conf = jnp.take_along_axis(flat, arg[:, None], axis=1)[:, 0]
    xx = (arg % W).astype(jnp.float32)
    yy = (arg // W).astype(jnp.float32)
    joints = jnp.stack([xx, yy, conf], axis=1)  # [K, 3]
    # keypoints with no pixel above threshold stay at -1 (as initialized)
    joints = jnp.where(has_det[:, None], joints, jnp.full_like(joints, -1.0))
    scale = INPUT_SIZE / output_size
    joints = jnp.concatenate([joints[:, :2] * scale, joints[:, 2:3]], axis=1)
    return joints

if __name__ == "__main__":
    import jax
    _d = setup_inputs()
    print(jax.jit(kernel)(*tuple(_d.values())))

</pallas_src>

<mosaic_0001>
#map = affine_map<(d0, d1) -> (0, 0, 0)>
#map1 = affine_map<(d0, d1) -> (0, 0)>
module attributes {stable_mosaic.version = 14 : i64} {
  func.func @_decode_sc(%arg0: i32, %arg1: i32, %arg2: memref<17x128x128xf32, #tpu.memory_space<hbm>>, %arg3: memref<17x16xf32, #tpu.memory_space<hbm>>, %arg4: memref<4x32x128xf32, #tpu.memory_space<vmem>>, %arg5: memref<16xf32, #tpu.memory_space<vmem>>, %arg6: memref<!tpu.dma_semaphore, #tpu.memory_space<semaphore_mem>>, %arg7: memref<!tpu.dma_semaphore, #tpu.memory_space<semaphore_mem>>, %arg8: memref<!tpu.dma_semaphore, #tpu.memory_space<semaphore_mem>>, %arg9: memref<!tpu.dma_semaphore, #tpu.memory_space<semaphore_mem>>) attributes {dimension_semantics = [#tpu.dimension_semantics<core_parallel>, #tpu.dimension_semantics<subcore_parallel>], iteration_bounds = array<i64: 2, 16>, scalar_prefetch = 0 : i64, scratch_operands = 6 : i64, tpu.core_type = #tpu.core_type<sc_vector_subcore>, window_params = [{transform_indices = #map}, {transform_indices = #map1}]} {
    %mul3A = arith.constant 16 : i32
    %mul3A_0 = arith.muli %arg0, %mul3A : i32
    %add3A = arith.addi %mul3A_0, %arg1 : i32
    %lt3A = arith.constant 17 : i32
    %lt3A_1 = arith.cmpi slt, %add3A, %lt3A : i32
    %convert_element_type3A = arith.extui %lt3A_1 : i1 to i32
    %cond3A = arith.constant 0 : i32
    %cond3A_2 = arith.cmpi ne, %convert_element_type3A, %cond3A : i32
    scf.if %cond3A_2 {
      %dma_start3A = arith.constant 0 : i32
      %dma_start3A_3 = arith.constant 0 : i32
      %dma_start3A_4 = arith.constant 0 : i32
      %dma_start3A_5 = tpu.memref_slice %arg4[%dma_start3A, %dma_start3A_3, %dma_start3A_4] : memref<4x32x128xf32, #tpu.memory_space<vmem>> -> memref<1x32x128xf32, #tpu.memory_space<vmem>>
      %dma_start3A_6 = tpu.memref_squeeze %dma_start3A_5 : memref<1x32x128xf32, #tpu.memory_space<vmem>> -> memref<32x128xf32, #tpu.memory_space<vmem>>
      %dma_start3A_7 = arith.constant 0 : i32
      %dma_start3A_8 = arith.constant 0 : i32
      %dma_start3A_9 = tpu.memref_slice %arg2[%add3A, %dma_start3A_7, %dma_start3A_8] : memref<17x128x128xf32, #tpu.memory_space<hbm>> -> memref<1x32x128xf32, #tpu.memory_space<hbm>>
      %dma_start3A_10 = tpu.memref_squeeze %dma_start3A_9 : memref<1x32x128xf32, #tpu.memory_space<hbm>> -> memref<32x128xf32, #tpu.memory_space<hbm>>
      %dma_start3A_11 = arith.constant 0 : i32
      %dma_start3A_12 = arith.constant 0 : i32
      %dma_start3A_13 = tpu.memref_slice %arg4[%dma_start3A, %dma_start3A_11, %dma_start3A_12] : memref<4x32x128xf32, #tpu.memory_space<vmem>> -> memref<1x32x128xf32, #tpu.memory_space<vmem>>
      %dma_start3A_14 = tpu.memref_squeeze %dma_start3A_13 : memref<1x32x128xf32, #tpu.memory_space<vmem>> -> memref<32x128xf32, #tpu.memory_space<vmem>>
      %dma_start3A_15 = arith.constant 0 : i32
      %dma_start3A_16 = arith.constant 0 : i32
      %dma_start3A_17 = tpu.memref_slice %arg2[%add3A, %dma_start3A_15, %dma_start3A_16] : memref<17x128x128xf32, #tpu.memory_space<hbm>> -> memref<1x32x128xf32, #tpu.memory_space<hbm>>
      %dma_start3A_18 = tpu.memref_squeeze %dma_start3A_17 : memref<1x32x128xf32, #tpu.memory_space<hbm>> -> memref<32x128xf32, #tpu.memory_space<hbm>>
      tpu.enqueue_dma source(%dma_start3A_18 : memref<32x128xf32, #tpu.memory_space<hbm>>) target(%dma_start3A_14 : memref<32x128xf32, #tpu.memory_space<vmem>>) target_semaphore(%arg6 : memref<!tpu.dma_semaphore, #tpu.memory_space<semaphore_mem>>)
      %dma_start3A_19 = arith.constant 1 : i32
      %dma_start3A_20 = arith.constant 0 : i32
      %dma_start3A_21 = arith.constant 0 : i32
      %dma_start3A_22 = tpu.memref_slice %arg4[%dma_start3A_19, %dma_start3A_20, %dma_start3A_21] : memref<4x32x128xf32, #tpu.memory_space<vmem>> -> memref<1x32x128xf32, #tpu.memory_space<vmem>>
      %dma_start3A_23 = tpu.memref_squeeze %dma_start3A_22 : memref<1x32x128xf32, #tpu.memory_space<vmem>> -> memref<32x128xf32, #tpu.memory_space<vmem>>
      %dma_start3A_24 = arith.constant 32 : i32
      %dma_start3A_25 = arith.constant 0 : i32
      %dma_start3A_26 = tpu.memref_slice %arg2[%add3A, %dma_start3A_24, %dma_start3A_25] : memref<17x128x128xf32, #tpu.memory_space<hbm>> -> memref<1x32x128xf32, #tpu.memory_space<hbm>>
      %dma_start3A_27 = tpu.memref_squeeze %dma_start3A_26 : memref<1x32x128xf32, #tpu.memory_space<hbm>> -> memref<32x128xf32, #tpu.memory_space<hbm>>
      %dma_start3A_28 = arith.constant 0 : i32
      %dma_start3A_29 = arith.constant 0 : i32
      %dma_start3A_30 = tpu.memref_slice %arg4[%dma_start3A_19, %dma_start3A_28, %dma_start3A_29] : memref<4x32x128xf32, #tpu.memory_space<vmem>> -> memref<1x32x128xf32, #tpu.memory_space<vmem>>
      %dma_start3A_31 = tpu.memref_squeeze %dma_start3A_30 : memref<1x32x128xf32, #tpu.memory_space<vmem>> -> memref<32x128xf32, #tpu.memory_space<vmem>>
      %dma_start3A_32 = arith.constant 32 : i32
      %dma_start3A_33 = arith.constant 0 : i32
      %dma_start3A_34 = tpu.memref_slice %arg2[%add3A, %dma_start3A_32, %dma_start3A_33] : memref<17x128x128xf32, #tpu.memory_space<hbm>> -> memref<1x32x128xf32, #tpu.memory_space<hbm>>
      %dma_start3A_35 = tpu.memref_squeeze %dma_start3A_34 : memref<1x32x128xf32, #tpu.memory_space<hbm>> -> memref<32x128xf32, #tpu.memory_space<hbm>>
      tpu.enqueue_dma source(%dma_start3A_35 : memref<32x128xf32, #tpu.memory_space<hbm>>) target(%dma_start3A_31 : memref<32x128xf32, #tpu.memory_space<vmem>>) target_semaphore(%arg7 : memref<!tpu.dma_semaphore, #tpu.memory_space<semaphore_mem>>)
      %dma_start3A_36 = arith.constant 2 : i32
      %dma_start3A_37 = arith.constant 0 : i32
      %dma_start3A_38 = arith.constant 0 : i32
      %dma_start3A_39 = tpu.memref_slice %arg4[%dma_start3A_36, %dma_start3A_37, %dma_start3A_38] : memref<4x32x128xf32, #tpu.memory_space<vmem>> -> memref<1x32x128xf32, #tpu.memory_space<vmem>>
      %dma_start3A_40 = tpu.memref_squeeze %dma_start3A_39 : memref<1x32x128xf32, #tpu.memory_space<vmem>> -> memref<32x128xf32, #tpu.memory_space<vmem>>
      %dma_start3A_41 = arith.constant 64 : i32
      %dma_start3A_42 = arith.constant 0 : i32
      %dma_start3A_43 = tpu.memref_slice %arg2[%add3A, %dma_start3A_41, %dma_start3A_42] : memref<17x128x128xf32, #tpu.memory_space<hbm>> -> memref<1x32x128xf32, #tpu.memory_space<hbm>>
      %dma_start3A_44 = tpu.memref_squeeze %dma_start3A_43 : memref<1x32x128xf32, #tpu.memory_space<hbm>> -> memref<32x128xf32, #tpu.memory_space<hbm>>
      %dma_start3A_45 = arith.constant 0 : i32
      %dma_start3A_46 = arith.constant 0 : i32
      %dma_start3A_47 = tpu.memref_slice %arg4[%dma_start3A_36, %dma_start3A_45, %dma_start3A_46] : memref<4x32x128xf32, #tpu.memory_space<vmem>> -> memref<1x32x128xf32, #tpu.memory_space<vmem>>
      %dma_start3A_48 = tpu.memref_squeeze %dma_start3A_47 : memref<1x32x128xf32, #tpu.memory_space<vmem>> -> memref<32x128xf32, #tpu.memory_space<vmem>>
      %dma_start3A_49 = arith.constant 64 : i32
      %dma_start3A_50 = arith.constant 0 : i32
      %dma_start3A_51 = tpu.memref_slice %arg2[%add3A, %dma_start3A_49, %dma_start3A_50] : memref<17x128x128xf32, #tpu.memory_space<hbm>> -> memref<1x32x128xf32, #tpu.memory_space<hbm>>
      %dma_start3A_52 = tpu.memref_squeeze %dma_start3A_51 : memref<1x32x128xf32, #tpu.memory_space<hbm>> -> memref<32x128xf32, #tpu.memory_space<hbm>>
      tpu.enqueue_dma source(%dma_start3A_52 : memref<32x128xf32, #tpu.memory_space<hbm>>) target(%dma_start3A_48 : memref<32x128xf32, #tpu.memory_space<vmem>>) target_semaphore(%arg8 : memref<!tpu.dma_semaphore, #tpu.memory_space<semaphore_mem>>)
      %dma_start3A_53 = arith.constant 3 : i32
      %dma_start3A_54 = arith.constant 0 : i32
      %dma_start3A_55 = arith.constant 0 : i32
      %dma_start3A_56 = tpu.memref_slice %arg4[%dma_start3A_53, %dma_start3A_54, %dma_start3A_55] : memref<4x32x128xf32, #tpu.memory_space<vmem>> -> memref<1x32x128xf32, #tpu.memory_space<vmem>>
      %dma_start3A_57 = tpu.memref_squeeze %dma_start3A_56 : memref<1x32x128xf32, #tpu.memory_space<vmem>> -> memref<32x128xf32, #tpu.memory_space<vmem>>
      %dma_start3A_58 = arith.constant 96 : i32
      %dma_start3A_59 = arith.constant 0 : i32
      %dma_start3A_60 = tpu.memref_slice %arg2[%add3A, %dma_start3A_58, %dma_start3A_59] : memref<17x128x128xf32, #tpu.memory_space<hbm>> -> memref<1x32x128xf32, #tpu.memory_space<hbm>>
      %dma_start3A_61 = tpu.memref_squeeze %dma_start3A_60 : memref<1x32x128xf32, #tpu.memory_space<hbm>> -> memref<32x128xf32, #tpu.memory_space<hbm>>
      %dma_start3A_62 = arith.constant 0 : i32
      %dma_start3A_63 = arith.constant 0 : i32
      %dma_start3A_64 = tpu.memref_slice %arg4[%dma_start3A_53, %dma_start3A_62, %dma_start3A_63] : memref<4x32x128xf32, #tpu.memory_space<vmem>> -> memref<1x32x128xf32, #tpu.memory_space<vmem>>
      %dma_start3A_65 = tpu.memref_squeeze %dma_start3A_64 : memref<1x32x128xf32, #tpu.memory_space<vmem>> -> memref<32x128xf32, #tpu.memory_space<vmem>>
      %dma_start3A_66 = arith.constant 96 : i32
      %dma_start3A_67 = arith.constant 0 : i32
      %dma_start3A_68 = tpu.memref_slice %arg2[%add3A, %dma_start3A_66, %dma_start3A_67] : memref<17x128x128xf32, #tpu.memory_space<hbm>> -> memref<1x32x128xf32, #tpu.memory_space<hbm>>
      %dma_start3A_69 = tpu.memref_squeeze %dma_start3A_68 : memref<1x32x128xf32, #tpu.memory_space<hbm>> -> memref<32x128xf32, #tpu.memory_space<hbm>>
      tpu.enqueue_dma source(%dma_start3A_69 : memref<32x128xf32, #tpu.memory_space<hbm>>) target(%dma_start3A_65 : memref<32x128xf32, #tpu.memory_space<vmem>>) target_semaphore(%arg9 : memref<!tpu.dma_semaphore, #tpu.memory_space<semaphore_mem>>)
      %iota3A = tpu.iota {dimensions = array<i32: 0>} : vector<16xi32>
      %broadcast_in_dim3A = arith.constant 0xFF800000 : f32
      %broadcast_in_dim3A_70 = vector.broadcast %broadcast_in_dim3A : f32 to vector<16xf32>
      %broadcast_in_dim3A_71 = arith.constant 0 : i32
      %broadcast_in_dim3A_72 = vector.broadcast %broadcast_in_dim3A_71 : i32 to vector<16xi32>
      %dma_wait3A = arith.constant 0 : i32
      %dma_wait3A_73 = arith.constant 0 : i32
      %dma_wait3A_74 = arith.constant 0 : i32
      %dma_wait3A_75 = tpu.memref_slice %arg4[%dma_wait3A, %dma_wait3A_73, %dma_wait3A_74] : memref<4x32x128xf32, #tpu.memory_space<vmem>> -> memref<1x32x128xf32, #tpu.memory_space<vmem>>
      %dma_wait3A_76 = tpu.memref_squeeze %dma_wait3A_75 : memref<1x32x128xf32, #tpu.memory_space<vmem>> -> memref<32x128xf32, #tpu.memory_space<vmem>>
      %dma_wait3A_77 = arith.constant 0 : i32
      %dma_wait3A_78 = arith.constant 0 : i32
      %dma_wait3A_79 = tpu.memref_slice %arg2[%add3A, %dma_wait3A_77, %dma_wait3A_78] : memref<17x128x128xf32, #tpu.memory_space<hbm>> -> memref<1x32x128xf32, #tpu.memory_space<hbm>>
      %dma_wait3A_80 = tpu.memref_squeeze %dma_wait3A_79 : memref<1x32x128xf32, #tpu.memory_space<hbm>> -> memref<32x128xf32, #tpu.memory_space<hbm>>
      %dma_wait3A_81 = arith.constant 0 : i32
      %dma_wait3A_82 = arith.constant 0 : i32
      %dma_wait3A_83 = tpu.memref_slice %arg4[%dma_wait3A, %dma_wait3A_81, %dma_wait3A_82] : memref<4x32x128xf32, #tpu.memory_space<vmem>> -> memref<1x32x128xf32, #tpu.memory_space<vmem>>
      %dma_wait3A_84 = tpu.memref_squeeze %dma_wait3A_83 : memref<1x32x128xf32, #tpu.memory_space<vmem>> -> memref<32x128xf32, #tpu.memory_space<vmem>>
      %dma_wait3A_85 = arith.constant 0 : i32
      %dma_wait3A_86 = arith.constant 0 : i32
      %dma_wait3A_87 = tpu.memref_slice %arg2[%add3A, %dma_wait3A_85, %dma_wait3A_86] : memref<17x128x128xf32, #tpu.memory_space<hbm>> -> memref<1x32x128xf32, #tpu.memory_space<hbm>>
      %dma_wait3A_88 = tpu.memref_squeeze %dma_wait3A_87 : memref<1x32x128xf32, #tpu.memory_space<hbm>> -> memref<32x128xf32, #tpu.memory_space<hbm>>
      tpu.wait_dma2 semaphore(%arg6 : memref<!tpu.dma_semaphore, #tpu.memory_space<semaphore_mem>>) src(%dma_wait3A_88 : memref<32x128xf32, #tpu.memory_space<hbm>>) dst(%dma_wait3A_84 : memref<32x128xf32, #tpu.memory_space<vmem>>)
      %scan3A = arith.constant 0 : i32
      %scan3A_89 = arith.constant 32 : i32
      %scan3A_90 = arith.addi %scan3A, %scan3A_89 : i32
      %scan3A_91 = arith.constant 1 : i32
      %scan3A_92:8 = scf.for %scan3A_286 = %scan3A to %scan3A_90 step %scan3A_91 iter_args(%scan3A_287 = %broadcast_in_dim3A_70, %scan3A_288 = %broadcast_in_dim3A_72, %scan3A_289 = %broadcast_in_dim3A_70, %scan3A_290 = %broadcast_in_dim3A_72, %scan3A_291 = %broadcast_in_dim3A_70, %scan3A_292 = %broadcast_in_dim3A_72, %scan3A_293 = %broadcast_in_dim3A_70, %scan3A_294 = %broadcast_in_dim3A_72) -> (vector<16xf32>, vector<16xi32>, vector<16xf32>, vector<16xi32>, vector<16xf32>, vector<16xi32>, vector<16xf32>, vector<16xi32>)  : i32 {
        %add3A_295 = arith.constant 0 : i32
        %add3A_296 = arith.addi %scan3A_286, %add3A_295 : i32
        %mul3A_297 = arith.constant 128 : i32
        %mul3A_298 = arith.muli %add3A_296, %mul3A_297 : i32
        %add3A_299 = vector.broadcast %mul3A_298 : i32 to vector<16xi32>
        %add3A_300 = arith.addi %iota3A, %add3A_299 : vector<16xi32>
        %get3A = arith.constant 0 : i32
        %get3A_301 = arith.index_cast %get3A : i32 to index
        %get3A_302 = arith.index_cast %scan3A_286 : i32 to index
        %get3A_303 = arith.constant 0 : index
        %get3A_304 = tpu.vector_load %arg4[%get3A_301, %get3A_302, %get3A_303] {strides = array<i32>} : memref<4x32x128xf32, #tpu.memory_space<vmem>>, vector<16xf32>,
        %gt3A_305 = arith.cmpf ogt, %get3A_304, %scan3A_287 : vector<16xf32>
        %select_n3A_306 = arith.select %gt3A_305, %get3A_304, %scan3A_287 : vector<16xi1>, vector<16xf32>
        %add3A_307 = arith.constant 0 : i32
        %add3A_308 = vector.broadcast %add3A_307 : i32 to vector<16xi32>
        %add3A_309 = arith.addi %add3A_300, %add3A_308 : vector<16xi32>
        %select_n3A_310 = arith.select %gt3A_305, %add3A_309, %scan3A_288 : vector<16xi1>, vector<16xi32>
        %get3A_311 = arith.constant 0 : i32
        %get3A_312 = arith.index_cast %get3A_311 : i32 to index
        %get3A_313 = arith.index_cast %scan3A_286 : i32 to index
        %get3A_314 = arith.constant 16 : index
        %get3A_315 = tpu.vector_load %arg4[%get3A_312, %get3A_313, %get3A_314] {strides = array<i32>} : memref<4x32x128xf32, #tpu.memory_space<vmem>>, vector<16xf32>,
        %gt3A_316 = arith.cmpf ogt, %get3A_315, %scan3A_289 : vector<16xf32>
        %select_n3A_317 = arith.select %gt3A_316, %get3A_315, %scan3A_289 : vector<16xi1>, vector<16xf32>
        %add3A_318 = arith.constant 16 : i32
        %add3A_319 = vector.broadcast %add3A_318 : i32 to vector<16xi32>
        %add3A_320 = arith.addi %add3A_300, %add3A_319 : vector<16xi32>
        %select_n3A_321 = arith.select %gt3A_316, %add3A_320, %scan3A_290 : vector<16xi1>, vector<16xi32>
        %get3A_322 = arith.constant 0 : i32
        %get3A_323 = arith.index_cast %get3A_322 : i32 to index
        %get3A_324 = arith.index_cast %scan3A_286 : i32 to index
        %get3A_325 = arith.constant 32 : index
        %get3A_326 = tpu.vector_load %arg4[%get3A_323, %get3A_324, %get3A_325] {strides = array<i32>} : memref<4x32x128xf32, #tpu.memory_space<vmem>>, vector<16xf32>,
        %gt3A_327 = arith.cmpf ogt, %get3A_326, %scan3A_291 : vector<16xf32>
        %select_n3A_328 = arith.select %gt3A_327, %get3A_326, %scan3A_291 : vector<16xi1>, vector<16xf32>
        %add3A_329 = arith.constant 32 : i32
        %add3A_330 = vector.broadcast %add3A_329 : i32 to vector<16xi32>
        %add3A_331 = arith.addi %add3A_300, %add3A_330 : vector<16xi32>
        %select_n3A_332 = arith.select %gt3A_327, %add3A_331, %scan3A_292 : vector<16xi1>, vector<16xi32>
        %get3A_333 = arith.constant 0 : i32
        %get3A_334 = arith.index_cast %get3A_333 : i32 to index
        %get3A_335 = arith.index_cast %scan3A_286 : i32 to index
        %get3A_336 = arith.constant 48 : index
        %get3A_337 = tpu.vector_load %arg4[%get3A_334, %get3A_335, %get3A_336] {strides = array<i32>} : memref<4x32x128xf32, #tpu.memory_space<vmem>>, vector<16xf32>,
        %gt3A_338 = arith.cmpf ogt, %get3A_337, %scan3A_293 : vector<16xf32>
        %select_n3A_339 = arith.select %gt3A_338, %get3A_337, %scan3A_293 : vector<16xi1>, vector<16xf32>
        %add3A_340 = arith.constant 48 : i32
        %add3A_341 = vector.broadcast %add3A_340 : i32 to vector<16xi32>
        %add3A_342 = arith.addi %add3A_300, %add3A_341 : vector<16xi32>
        %select_n3A_343 = arith.select %gt3A_338, %add3A_342, %scan3A_294 : vector<16xi1>, vector<16xi32>
        %get3A_344 = arith.constant 0 : i32
        %get3A_345 = arith.index_cast %get3A_344 : i32 to index
        %get3A_346 = arith.index_cast %scan3A_286 : i32 to index
        %get3A_347 = arith.constant 64 : index
        %get3A_348 = tpu.vector_load %arg4[%get3A_345, %get3A_346, %get3A_347] {strides = array<i32>} : memref<4x32x128xf32, #tpu.memory_space<vmem>>, vector<16xf32>,
        %gt3A_349 = arith.cmpf ogt, %get3A_348, %select_n3A_306 : vector<16xf32>
        %select_n3A_350 = arith.select %gt3A_349, %get3A_348, %select_n3A_306 : vector<16xi1>, vector<16xf32>
        %add3A_351 = arith.constant 64 : i32
        %add3A_352 = vector.broadcast %add3A_351 : i32 to vector<16xi32>
        %add3A_353 = arith.addi %add3A_300, %add3A_352 : vector<16xi32>
        %select_n3A_354 = arith.select %gt3A_349, %add3A_353, %select_n3A_310 : vector<16xi1>, vector<16xi32>
        %get3A_355 = arith.constant 0 : i32
        %get3A_356 = arith.index_cast %get3A_355 : i32 to index
        %get3A_357 = arith.index_cast %scan3A_286 : i32 to index
        %get3A_358 = arith.constant 80 : index
        %get3A_359 = tpu.vector_load %arg4[%get3A_356, %get3A_357, %get3A_358] {strides = array<i32>} : memref<4x32x128xf32, #tpu.memory_space<vmem>>, vector<16xf32>,
        %gt3A_360 = arith.cmpf ogt, %get3A_359, %select_n3A_317 : vector<16xf32>
        %select_n3A_361 = arith.select %gt3A_360, %get3A_359, %select_n3A_317 : vector<16xi1>, vector<16xf32>
        %add3A_362 = arith.constant 80 : i32
        %add3A_363 = vector.broadcast %add3A_362 : i32 to vector<16xi32>
        %add3A_364 = arith.addi %add3A_300, %add3A_363 : vector<16xi32>
        %select_n3A_365 = arith.select %gt3A_360, %add3A_364, %select_n3A_321 : vector<16xi1>, vector<16xi32>
        %get3A_366 = arith.constant 0 : i32
        %get3A_367 = arith.index_cast %get3A_366 : i32 to index
        %get3A_368 = arith.index_cast %scan3A_286 : i32 to index
        %get3A_369 = arith.constant 96 : index
        %get3A_370 = tpu.vector_load %arg4[%get3A_367, %get3A_368, %get3A_369] {strides = array<i32>} : memref<4x32x128xf32, #tpu.memory_space<vmem>>, vector<16xf32>,
        %gt3A_371 = arith.cmpf ogt, %get3A_370, %select_n3A_328 : vector<16xf32>
        %select_n3A_372 = arith.select %gt3A_371, %get3A_370, %select_n3A_328 : vector<16xi1>, vector<16xf32>
        %add3A_373 = arith.constant 96 : i32
        %add3A_374 = vector.broadcast %add3A_373 : i32 to vector<16xi32>
        %add3A_375 = arith.addi %add3A_300, %add3A_374 : vector<16xi32>
        %select_n3A_376 = arith.select %gt3A_371, %add3A_375, %select_n3A_332 : vector<16xi1>, vector<16xi32>
        %get3A_377 = arith.constant 0 : i32
        %get3A_378 = arith.index_cast %get3A_377 : i32 to index
        %get3A_379 = arith.index_cast %scan3A_286 : i32 to index
        %get3A_380 = arith.constant 112 : index
        %get3A_381 = tpu.vector_load %arg4[%get3A_378, %get3A_379, %get3A_380] {strides = array<i32>} : memref<4x32x128xf32, #tpu.memory_space<vmem>>, vector<16xf32>,
        %gt3A_382 = arith.cmpf ogt, %get3A_381, %select_n3A_339 : vector<16xf32>
        %select_n3A_383 = arith.select %gt3A_382, %get3A_381, %select_n3A_339 : vector<16xi1>, vector<16xf32>
        %add3A_384 = arith.constant 112 : i32
        %add3A_385 = vector.broadcast %add3A_384 : i32 to vector<16xi32>
        %add3A_386 = arith.addi %add3A_300, %add3A_385 : vector<16xi32>
        %select_n3A_387 = arith.select %gt3A_382, %add3A_386, %select_n3A_343 : vector<16xi1>, vector<16xi32>
        scf.yield %select_n3A_350, %select_n3A_354, %select_n3A_361, %select_n3A_365, %select_n3A_372, %select_n3A_376, %select_n3A_383, %select_n3A_387 : vector<16xf32>, vector<16xi32>, vector<16xf32>, vector<16xi32>, vector<16xf32>, vector<16xi32>, vector<16xf32>, vector<16xi32>
      }
      %scan3A_93 = arith.constant 32 : i32
      %dma_wait3A_94 = arith.constant 1 : i32
      %dma_wait3A_95 = arith.constant 0 : i32
      %dma_wait3A_96 = arith.constant 0 : i32
      %dma_wait3A_97 = tpu.memref_slice %arg4[%dma_wait3A_94, %dma_wait3A_95, %dma_wait3A_96] : memref<4x32x128xf32, #tpu.memory_space<vmem>> -> memref<1x32x128xf32, #tpu.memory_space<vmem>>
      %dma_wait3A_98 = tpu.memref_squeeze %dma_wait3A_97 : memref<1x32x128xf32, #tpu.memory_space<vmem>> -> memref<32x128xf32, #tpu.memory_space<vmem>>
      %dma_wait3A_99 = arith.constant 32 : i32
      %dma_wait3A_100 = arith.constant 0 : i32
      %dma_wait3A_101 = tpu.memref_slice %arg2[%add3A, %dma_wait3A_99, %dma_wait3A_100] : memref<17x128x128xf32, #tpu.memory_space<hbm>> -> memref<1x32x128xf32, #tpu.memory_space<hbm>>
      %dma_wait3A_102 = tpu.memref_squeeze %dma_wait3A_101 : memref<1x32x128xf32, #tpu.memory_space<hbm>> -> memref<32x128xf32, #tpu.memory_space<hbm>>
      %dma_wait3A_103 = arith.constant 0 : i32
      %dma_wait3A_104 = arith.constant 0 : i32
      %dma_wait3A_105 = tpu.memref_slice %arg4[%dma_wait3A_94, %dma_wait3A_103, %dma_wait3A_104] : memref<4x32x128xf32, #tpu.memory_space<vmem>> -> memref<1x32x128xf32, #tpu.memory_space<vmem>>
      %dma_wait3A_106 = tpu.memref_squeeze %dma_wait3A_105 : memref<1x32x128xf32, #tpu.memory_space<vmem>> -> memref<32x128xf32, #tpu.memory_space<vmem>>
      %dma_wait3A_107 = arith.constant 32 : i32
      %dma_wait3A_108 = arith.constant 0 : i32
      %dma_wait3A_109 = tpu.memref_slice %arg2[%add3A, %dma_wait3A_107, %dma_wait3A_108] : memref<17x128x128xf32, #tpu.memory_space<hbm>> -> memref<1x32x128xf32, #tpu.memory_space<hbm>>
      %dma_wait3A_110 = tpu.memref_squeeze %dma_wait3A_109 : memref<1x32x128xf32, #tpu.memory_space<hbm>> -> memref<32x128xf32, #tpu.memory_space<hbm>>
      tpu.wait_dma2 semaphore(%arg7 : memref<!tpu.dma_semaphore, #tpu.memory_space<semaphore_mem>>) src(%dma_wait3A_110 : memref<32x128xf32, #tpu.memory_space<hbm>>) dst(%dma_wait3A_106 : memref<32x128xf32, #tpu.memory_space<vmem>>)
      %scan3A_111 = arith.constant 0 : i32
      %scan3A_112 = arith.constant 32 : i32
      %scan3A_113 = arith.addi %scan3A_111, %scan3A_112 : i32
      %scan3A_114 = arith.constant 1 : i32
      %scan3A_115:8 = scf.for %scan3A_286 = %scan3A_111 to %scan3A_113 step %scan3A_114 iter_args(%scan3A_287 = %scan3A_92#0, %scan3A_288 = %scan3A_92#1, %scan3A_289 = %scan3A_92#2, %scan3A_290 = %scan3A_92#3, %scan3A_291 = %scan3A_92#4, %scan3A_292 = %scan3A_92#5, %scan3A_293 = %scan3A_92#6, %scan3A_294 = %scan3A_92#7) -> (vector<16xf32>, vector<16xi32>, vector<16xf32>, vector<16xi32>, vector<16xf32>, vector<16xi32>, vector<16xf32>, vector<16xi32>)  : i32 {
        %add3A_295 = arith.constant 32 : i32
        %add3A_296 = arith.addi %scan3A_286, %add3A_295 : i32
        %mul3A_297 = arith.constant 128 : i32
        %mul3A_298 = arith.muli %add3A_296, %mul3A_297 : i32
        %add3A_299 = vector.broadcast %mul3A_298 : i32 to vector<16xi32>
        %add3A_300 = arith.addi %iota3A, %add3A_299 : vector<16xi32>
        %get3A = arith.constant 1 : i32
        %get3A_301 = arith.index_cast %get3A : i32 to index
        %get3A_302 = arith.index_cast %scan3A_286 : i32 to index
        %get3A_303 = arith.constant 0 : index
        %get3A_304 = tpu.vector_load %arg4[%get3A_301, %get3A_302, %get3A_303] {strides = array<i32>} : memref<4x32x128xf32, #tpu.memory_space<vmem>>, vector<16xf32>,
        %gt3A_305 = arith.cmpf ogt, %get3A_304, %scan3A_287 : vector<16xf32>
        %select_n3A_306 = arith.select %gt3A_305, %get3A_304, %scan3A_287 : vector<16xi1>, vector<16xf32>
        %add3A_307 = arith.constant 0 : i32
        %add3A_308 = vector.broadcast %add3A_307 : i32 to vector<16xi32>
        %add3A_309 = arith.addi %add3A_300, %add3A_308 : vector<16xi32>
        %select_n3A_310 = arith.select %gt3A_305, %add3A_309, %scan3A_288 : vector<16xi1>, vector<16xi32>
        %get3A_311 = arith.constant 1 : i32
        %get3A_312 = arith.index_cast %get3A_311 : i32 to index
        %get3A_313 = arith.index_cast %scan3A_286 : i32 to index
        %get3A_314 = arith.constant 16 : index
        %get3A_315 = tpu.vector_load %arg4[%get3A_312, %get3A_313, %get3A_314] {strides = array<i32>} : memref<4x32x128xf32, #tpu.memory_space<vmem>>, vector<16xf32>,
        %gt3A_316 = arith.cmpf ogt, %get3A_315, %scan3A_289 : vector<16xf32>
        %select_n3A_317 = arith.select %gt3A_316, %get3A_315, %scan3A_289 : vector<16xi1>, vector<16xf32>
        %add3A_318 = arith.constant 16 : i32
        %add3A_319 = vector.broadcast %add3A_318 : i32 to vector<16xi32>
        %add3A_320 = arith.addi %add3A_300, %add3A_319 : vector<16xi32>
        %select_n3A_321 = arith.select %gt3A_316, %add3A_320, %scan3A_290 : vector<16xi1>, vector<16xi32>
        %get3A_322 = arith.constant 1 : i32
        %get3A_323 = arith.index_cast %get3A_322 : i32 to index
        %get3A_324 = arith.index_cast %scan3A_286 : i32 to index
        %get3A_325 = arith.constant 32 : index
        %get3A_326 = tpu.vector_load %arg4[%get3A_323, %get3A_324, %get3A_325] {strides = array<i32>} : memref<4x32x128xf32, #tpu.memory_space<vmem>>, vector<16xf32>,
        %gt3A_327 = arith.cmpf ogt, %get3A_326, %scan3A_291 : vector<16xf32>
        %select_n3A_328 = arith.select %gt3A_327, %get3A_326, %scan3A_291 : vector<16xi1>, vector<16xf32>
        %add3A_329 = arith.constant 32 : i32
        %add3A_330 = vector.broadcast %add3A_329 : i32 to vector<16xi32>
        %add3A_331 = arith.addi %add3A_300, %add3A_330 : vector<16xi32>
        %select_n3A_332 = arith.select %gt3A_327, %add3A_331, %scan3A_292 : vector<16xi1>, vector<16xi32>
        %get3A_333 = arith.constant 1 : i32
        %get3A_334 = arith.index_cast %get3A_333 : i32 to index
        %get3A_335 = arith.index_cast %scan3A_286 : i32 to index
        %get3A_336 = arith.constant 48 : index
        %get3A_337 = tpu.vector_load %arg4[%get3A_334, %get3A_335, %get3A_336] {strides = array<i32>} : memref<4x32x128xf32, #tpu.memory_space<vmem>>, vector<16xf32>,
        %gt3A_338 = arith.cmpf ogt, %get3A_337, %scan3A_293 : vector<16xf32>
        %select_n3A_339 = arith.select %gt3A_338, %get3A_337, %scan3A_293 : vector<16xi1>, vector<16xf32>
        %add3A_340 = arith.constant 48 : i32
        %add3A_341 = vector.broadcast %add3A_340 : i32 to vector<16xi32>
        %add3A_342 = arith.addi %add3A_300, %add3A_341 : vector<16xi32>
        %select_n3A_343 = arith.select %gt3A_338, %add3A_342, %scan3A_294 : vector<16xi1>, vector<16xi32>
        %get3A_344 = arith.constant 1 : i32
        %get3A_345 = arith.index_cast %get3A_344 : i32 to index
        %get3A_346 = arith.index_cast %scan3A_286 : i32 to index
        %get3A_347 = arith.constant 64 : index
        %get3A_348 = tpu.vector_load %arg4[%get3A_345, %get3A_346, %get3A_347] {strides = array<i32>} : memref<4x32x128xf32, #tpu.memory_space<vmem>>, vector<16xf32>,
        %gt3A_349 = arith.cmpf ogt, %get3A_348, %select_n3A_306 : vector<16xf32>
        %select_n3A_350 = arith.select %gt3A_349, %get3A_348, %select_n3A_306 : vector<16xi1>, vector<16xf32>
        %add3A_351 = arith.constant 64 : i32
        %add3A_352 = vector.broadcast %add3A_351 : i32 to vector<16xi32>
        %add3A_353 = arith.addi %add3A_300, %add3A_352 : vector<16xi32>
        %select_n3A_354 = arith.select %gt3A_349, %add3A_353, %select_n3A_310 : vector<16xi1>, vector<16xi32>
        %get3A_355 = arith.constant 1 : i32
        %get3A_356 = arith.index_cast %get3A_355 : i32 to index
        %get3A_357 = arith.index_cast %scan3A_286 : i32 to index
        %get3A_358 = arith.constant 80 : index
        %get3A_359 = tpu.vector_load %arg4[%get3A_356, %get3A_357, %get3A_358] {strides = array<i32>} : memref<4x32x128xf32, #tpu.memory_space<vmem>>, vector<16xf32>,
        %gt3A_360 = arith.cmpf ogt, %get3A_359, %select_n3A_317 : vector<16xf32>
        %select_n3A_361 = arith.select %gt3A_360, %get3A_359, %select_n3A_317 : vector<16xi1>, vector<16xf32>
        %add3A_362 = arith.constant 80 : i32
        %add3A_363 = vector.broadcast %add3A_362 : i32 to vector<16xi32>
        %add3A_364 = arith.addi %add3A_300, %add3A_363 : vector<16xi32>
        %select_n3A_365 = arith.select %gt3A_360, %add3A_364, %select_n3A_321 : vector<16xi1>, vector<16xi32>
        %get3A_366 = arith.constant 1 : i32
        %get3A_367 = arith.index_cast %get3A_366 : i32 to index
        %get3A_368 = arith.index_cast %scan3A_286 : i32 to index
        %get3A_369 = arith.constant 96 : index
        %get3A_370 = tpu.vector_load %arg4[%get3A_367, %get3A_368, %get3A_369] {strides = array<i32>} : memref<4x32x128xf32, #tpu.memory_space<vmem>>, vector<16xf32>,
        %gt3A_371 = arith.cmpf ogt, %get3A_370, %select_n3A_328 : vector<16xf32>
        %select_n3A_372 = arith.select %gt3A_371, %get3A_370, %select_n3A_328 : vector<16xi1>, vector<16xf32>
        %add3A_373 = arith.constant 96 : i32
        %add3A_374 = vector.broadcast %add3A_373 : i32 to vector<16xi32>
        %add3A_375 = arith.addi %add3A_300, %add3A_374 : vector<16xi32>
        %select_n3A_376 = arith.select %gt3A_371, %add3A_375, %select_n3A_332 : vector<16xi1>, vector<16xi32>
        %get3A_377 = arith.constant 1 : i32
        %get3A_378 = arith.index_cast %get3A_377 : i32 to index
        %get3A_379 = arith.index_cast %scan3A_286 : i32 to index
        %get3A_380 = arith.constant 112 : index
        %get3A_381 = tpu.vector_load %arg4[%get3A_378, %get3A_379, %get3A_380] {strides = array<i32>} : memref<4x32x128xf32, #tpu.memory_space<vmem>>, vector<16xf32>,
        %gt3A_382 = arith.cmpf ogt, %get3A_381, %select_n3A_339 : vector<16xf32>
        %select_n3A_383 = arith.select %gt3A_382, %get3A_381, %select_n3A_339 : vector<16xi1>, vector<16xf32>
        %add3A_384 = arith.constant 112 : i32
        %add3A_385 = vector.broadcast %add3A_384 : i32 to vector<16xi32>
        %add3A_386 = arith.addi %add3A_300, %add3A_385 : vector<16xi32>
        %select_n3A_387 = arith.select %gt3A_382, %add3A_386, %select_n3A_343 : vector<16xi1>, vector<16xi32>
        scf.yield %select_n3A_350, %select_n3A_354, %select_n3A_361, %select_n3A_365, %select_n3A_372, %select_n3A_376, %select_n3A_383, %select_n3A_387 : vector<16xf32>, vector<16xi32>, vector<16xf32>, vector<16xi32>, vector<16xf32>, vector<16xi32>, vector<16xf32>, vector<16xi32>
      }
      %scan3A_116 = arith.constant 32 : i32
      %dma_wait3A_117 = arith.constant 2 : i32
      %dma_wait3A_118 = arith.constant 0 : i32
      %dma_wait3A_119 = arith.constant 0 : i32
      %dma_wait3A_120 = tpu.memref_slice %arg4[%dma_wait3A_117, %dma_wait3A_118, %dma_wait3A_119] : memref<4x32x128xf32, #tpu.memory_space<vmem>> -> memref<1x32x128xf32, #tpu.memory_space<vmem>>
      %dma_wait3A_121 = tpu.memref_squeeze %dma_wait3A_120 : memref<1x32x128xf32, #tpu.memory_space<vmem>> -> memref<32x128xf32, #tpu.memory_space<vmem>>
      %dma_wait3A_122 = arith.constant 64 : i32
      %dma_wait3A_123 = arith.constant 0 : i32
      %dma_wait3A_124 = tpu.memref_slice %arg2[%add3A, %dma_wait3A_122, %dma_wait3A_123] : memref<17x128x128xf32, #tpu.memory_space<hbm>> -> memref<1x32x128xf32, #tpu.memory_space<hbm>>
      %dma_wait3A_125 = tpu.memref_squeeze %dma_wait3A_124 : memref<1x32x128xf32, #tpu.memory_space<hbm>> -> memref<32x128xf32, #tpu.memory_space<hbm>>
      %dma_wait3A_126 = arith.constant 0 : i32
      %dma_wait3A_127 = arith.constant 0 : i32
      %dma_wait3A_128 = tpu.memref_slice %arg4[%dma_wait3A_117, %dma_wait3A_126, %dma_wait3A_127] : memref<4x32x128xf32, #tpu.memory_space<vmem>> -> memref<1x32x128xf32, #tpu.memory_space<vmem>>
      %dma_wait3A_129 = tpu.memref_squeeze %dma_wait3A_128 : memref<1x32x128xf32, #tpu.memory_space<vmem>> -> memref<32x128xf32, #tpu.memory_space<vmem>>
      %dma_wait3A_130 = arith.constant 64 : i32
      %dma_wait3A_131 = arith.constant 0 : i32
      %dma_wait3A_132 = tpu.memref_slice %arg2[%add3A, %dma_wait3A_130, %dma_wait3A_131] : memref<17x128x128xf32, #tpu.memory_space<hbm>> -> memref<1x32x128xf32, #tpu.memory_space<hbm>>
      %dma_wait3A_133 = tpu.memref_squeeze %dma_wait3A_132 : memref<1x32x128xf32, #tpu.memory_space<hbm>> -> memref<32x128xf32, #tpu.memory_space<hbm>>
      tpu.wait_dma2 semaphore(%arg8 : memref<!tpu.dma_semaphore, #tpu.memory_space<semaphore_mem>>) src(%dma_wait3A_133 : memref<32x128xf32, #tpu.memory_space<hbm>>) dst(%dma_wait3A_129 : memref<32x128xf32, #tpu.memory_space<vmem>>)
      %scan3A_134 = arith.constant 0 : i32
      %scan3A_135 = arith.constant 32 : i32
      %scan3A_136 = arith.addi %scan3A_134, %scan3A_135 : i32
      %scan3A_137 = arith.constant 1 : i32
      %scan3A_138:8 = scf.for %scan3A_286 = %scan3A_134 to %scan3A_136 step %scan3A_137 iter_args(%scan3A_287 = %scan3A_115#0, %scan3A_288 = %scan3A_115#1, %scan3A_289 = %scan3A_115#2, %scan3A_290 = %scan3A_115#3, %scan3A_291 = %scan3A_115#4, %scan3A_292 = %scan3A_115#5, %scan3A_293 = %scan3A_115#6, %scan3A_294 = %scan3A_115#7) -> (vector<16xf32>, vector<16xi32>, vector<16xf32>, vector<16xi32>, vector<16xf32>, vector<16xi32>, vector<16xf32>, vector<16xi32>)  : i32 {
        %add3A_295 = arith.constant 64 : i32
        %add3A_296 = arith.addi %scan3A_286, %add3A_295 : i32
        %mul3A_297 = arith.constant 128 : i32
        %mul3A_298 = arith.muli %add3A_296, %mul3A_297 : i32
        %add3A_299 = vector.broadcast %mul3A_298 : i32 to vector<16xi32>
        %add3A_300 = arith.addi %iota3A, %add3A_299 : vector<16xi32>
        %get3A = arith.constant 2 : i32
        %get3A_301 = arith.index_cast %get3A : i32 to index
        %get3A_302 = arith.index_cast %scan3A_286 : i32 to index
        %get3A_303 = arith.constant 0 : index
        %get3A_304 = tpu.vector_load %arg4[%get3A_301, %get3A_302, %get3A_303] {strides = array<i32>} : memref<4x32x128xf32, #tpu.memory_space<vmem>>, vector<16xf32>,
        %gt3A_305 = arith.cmpf ogt, %get3A_304, %scan3A_287 : vector<16xf32>
        %select_n3A_306 = arith.select %gt3A_305, %get3A_304, %scan3A_287 : vector<16xi1>, vector<16xf32>
        %add3A_307 = arith.constant 0 : i32
        %add3A_308 = vector.broadcast %add3A_307 : i32 to vector<16xi32>
        %add3A_309 = arith.addi %add3A_300, %add3A_308 : vector<16xi32>
        %select_n3A_310 = arith.select %gt3A_305, %add3A_309, %scan3A_288 : vector<16xi1>, vector<16xi32>
        %get3A_311 = arith.constant 2 : i32
        %get3A_312 = arith.index_cast %get3A_311 : i32 to index
        %get3A_313 = arith.index_cast %scan3A_286 : i32 to index
        %get3A_314 = arith.constant 16 : index
        %get3A_315 = tpu.vector_load %arg4[%get3A_312, %get3A_313, %get3A_314] {strides = array<i32>} : memref<4x32x128xf32, #tpu.memory_space<vmem>>, vector<16xf32>,
        %gt3A_316 = arith.cmpf ogt, %get3A_315, %scan3A_289 : vector<16xf32>
        %select_n3A_317 = arith.select %gt3A_316, %get3A_315, %scan3A_289 : vector<16xi1>, vector<16xf32>
        %add3A_318 = arith.constant 16 : i32
        %add3A_319 = vector.broadcast %add3A_318 : i32 to vector<16xi32>
        %add3A_320 = arith.addi %add3A_300, %add3A_319 : vector<16xi32>
        %select_n3A_321 = arith.select %gt3A_316, %add3A_320, %scan3A_290 : vector<16xi1>, vector<16xi32>
        %get3A_322 = arith.constant 2 : i32
        %get3A_323 = arith.index_cast %get3A_322 : i32 to index
        %get3A_324 = arith.index_cast %scan3A_286 : i32 to index
        %get3A_325 = arith.constant 32 : index
        %get3A_326 = tpu.vector_load %arg4[%get3A_323, %get3A_324, %get3A_325] {strides = array<i32>} : memref<4x32x128xf32, #tpu.memory_space<vmem>>, vector<16xf32>,
        %gt3A_327 = arith.cmpf ogt, %get3A_326, %scan3A_291 : vector<16xf32>
        %select_n3A_328 = arith.select %gt3A_327, %get3A_326, %scan3A_291 : vector<16xi1>, vector<16xf32>
        %add3A_329 = arith.constant 32 : i32
        %add3A_330 = vector.broadcast %add3A_329 : i32 to vector<16xi32>
        %add3A_331 = arith.addi %add3A_300, %add3A_330 : vector<16xi32>
        %select_n3A_332 = arith.select %gt3A_327, %add3A_331, %scan3A_292 : vector<16xi1>, vector<16xi32>
        %get3A_333 = arith.constant 2 : i32
        %get3A_334 = arith.index_cast %get3A_333 : i32 to index
        %get3A_335 = arith.index_cast %scan3A_286 : i32 to index
        %get3A_336 = arith.constant 48 : index
        %get3A_337 = tpu.vector_load %arg4[%get3A_334, %get3A_335, %get3A_336] {strides = array<i32>} : memref<4x32x128xf32, #tpu.memory_space<vmem>>, vector<16xf32>,
        %gt3A_338 = arith.cmpf ogt, %get3A_337, %scan3A_293 : vector<16xf32>
        %select_n3A_339 = arith.select %gt3A_338, %get3A_337, %scan3A_293 : vector<16xi1>, vector<16xf32>
        %add3A_340 = arith.constant 48 : i32
        %add3A_341 = vector.broadcast %add3A_340 : i32 to vector<16xi32>
        %add3A_342 = arith.addi %add3A_300, %add3A_341 : vector<16xi32>
        %select_n3A_343 = arith.select %gt3A_338, %add3A_342, %scan3A_294 : vector<16xi1>, vector<16xi32>
        %get3A_344 = arith.constant 2 : i32
        %get3A_345 = arith.index_cast %get3A_344 : i32 to index
        %get3A_346 = arith.index_cast %scan3A_286 : i32 to index
        %get3A_347 = arith.constant 64 : index
        %get3A_348 = tpu.vector_load %arg4[%get3A_345, %get3A_346, %get3A_347] {strides = array<i32>} : memref<4x32x128xf32, #tpu.memory_space<vmem>>, vector<16xf32>,
        %gt3A_349 = arith.cmpf ogt, %get3A_348, %select_n3A_306 : vector<16xf32>
        %select_n3A_350 = arith.select %gt3A_349, %get3A_348, %select_n3A_306 : vector<16xi1>, vector<16xf32>
        %add3A_351 = arith.constant 64 : i32
        %add3A_352 = vector.broadcast %add3A_351 : i32 to vector<16xi32>
        %add3A_353 = arith.addi %add3A_300, %add3A_352 : vector<16xi32>
        %select_n3A_354 = arith.select %gt3A_349, %add3A_353, %select_n3A_310 : vector<16xi1>, vector<16xi32>
        %get3A_355 = arith.constant 2 : i32
        %get3A_356 = arith.index_cast %get3A_355 : i32 to index
        %get3A_357 = arith.index_cast %scan3A_286 : i32 to index
        %get3A_358 = arith.constant 80 : index
        %get3A_359 = tpu.vector_load %arg4[%get3A_356, %get3A_357, %get3A_358] {strides = array<i32>} : memref<4x32x128xf32, #tpu.memory_space<vmem>>, vector<16xf32>,
        %gt3A_360 = arith.cmpf ogt, %get3A_359, %select_n3A_317 : vector<16xf32>
        %select_n3A_361 = arith.select %gt3A_360, %get3A_359, %select_n3A_317 : vector<16xi1>, vector<16xf32>
        %add3A_362 = arith.constant 80 : i32
        %add3A_363 = vector.broadcast %add3A_362 : i32 to vector<16xi32>
        %add3A_364 = arith.addi %add3A_300, %add3A_363 : vector<16xi32>
        %select_n3A_365 = arith.select %gt3A_360, %add3A_364, %select_n3A_321 : vector<16xi1>, vector<16xi32>
        %get3A_366 = arith.constant 2 : i32
        %get3A_367 = arith.index_cast %get3A_366 : i32 to index
        %get3A_368 = arith.index_cast %scan3A_286 : i32 to index
        %get3A_369 = arith.constant 96 : index
        %get3A_370 = tpu.vector_load %arg4[%get3A_367, %get3A_368, %get3A_369] {strides = array<i32>} : memref<4x32x128xf32, #tpu.memory_space<vmem>>, vector<16xf32>,
        %gt3A_371 = arith.cmpf ogt, %get3A_370, %select_n3A_328 : vector<16xf32>
        %select_n3A_372 = arith.select %gt3A_371, %get3A_370, %select_n3A_328 : vector<16xi1>, vector<16xf32>
        %add3A_373 = arith.constant 96 : i32
        %add3A_374 = vector.broadcast %add3A_373 : i32 to vector<16xi32>
        %add3A_375 = arith.addi %add3A_300, %add3A_374 : vector<16xi32>
        %select_n3A_376 = arith.select %gt3A_371, %add3A_375, %select_n3A_332 : vector<16xi1>, vector<16xi32>
        %get3A_377 = arith.constant 2 : i32
        %get3A_378 = arith.index_cast %get3A_377 : i32 to index
        %get3A_379 = arith.index_cast %scan3A_286 : i32 to index
        %get3A_380 = arith.constant 112 : index
        %get3A_381 = tpu.vector_load %arg4[%get3A_378, %get3A_379, %get3A_380] {strides = array<i32>} : memref<4x32x128xf32, #tpu.memory_space<vmem>>, vector<16xf32>,
        %gt3A_382 = arith.cmpf ogt, %get3A_381, %select_n3A_339 : vector<16xf32>
        %select_n3A_383 = arith.select %gt3A_382, %get3A_381, %select_n3A_339 : vector<16xi1>, vector<16xf32>
        %add3A_384 = arith.constant 112 : i32
        %add3A_385 = vector.broadcast %add3A_384 : i32 to vector<16xi32>
        %add3A_386 = arith.addi %add3A_300, %add3A_385 : vector<16xi32>
        %select_n3A_387 = arith.select %gt3A_382, %add3A_386, %select_n3A_343 : vector<16xi1>, vector<16xi32>
        scf.yield %select_n3A_350, %select_n3A_354, %select_n3A_361, %select_n3A_365, %select_n3A_372, %select_n3A_376, %select_n3A_383, %select_n3A_387 : vector<16xf32>, vector<16xi32>, vector<16xf32>, vector<16xi32>, vector<16xf32>, vector<16xi32>, vector<16xf32>, vector<16xi32>
      }
      %scan3A_139 = arith.constant 32 : i32
      %dma_wait3A_140 = arith.constant 3 : i32
      %dma_wait3A_141 = arith.constant 0 : i32
      %dma_wait3A_142 = arith.constant 0 : i32
      %dma_wait3A_143 = tpu.memref_slice %arg4[%dma_wait3A_140, %dma_wait3A_141, %dma_wait3A_142] : memref<4x32x128xf32, #tpu.memory_space<vmem>> -> memref<1x32x128xf32, #tpu.memory_space<vmem>>
      %dma_wait3A_144 = tpu.memref_squeeze %dma_wait3A_143 : memref<1x32x128xf32, #tpu.memory_space<vmem>> -> memref<32x128xf32, #tpu.memory_space<vmem>>
      %dma_wait3A_145 = arith.constant 96 : i32
      %dma_wait3A_146 = arith.constant 0 : i32
      %dma_wait3A_147 = tpu.memref_slice %arg2[%add3A, %dma_wait3A_145, %dma_wait3A_146] : memref<17x128x128xf32, #tpu.memory_space<hbm>> -> memref<1x32x128xf32, #tpu.memory_space<hbm>>
      %dma_wait3A_148 = tpu.memref_squeeze %dma_wait3A_147 : memref<1x32x128xf32, #tpu.memory_space<hbm>> -> memref<32x128xf32, #tpu.memory_space<hbm>>
      %dma_wait3A_149 = arith.constant 0 : i32
      %dma_wait3A_150 = arith.constant 0 : i32
      %dma_wait3A_151 = tpu.memref_slice %arg4[%dma_wait3A_140, %dma_wait3A_149, %dma_wait3A_150] : memref<4x32x128xf32, #tpu.memory_space<vmem>> -> memref<1x32x128xf32, #tpu.memory_space<vmem>>
      %dma_wait3A_152 = tpu.memref_squeeze %dma_wait3A_151 : memref<1x32x128xf32, #tpu.memory_space<vmem>> -> memref<32x128xf32, #tpu.memory_space<vmem>>
      %dma_wait3A_153 = arith.constant 96 : i32
      %dma_wait3A_154 = arith.constant 0 : i32
      %dma_wait3A_155 = tpu.memref_slice %arg2[%add3A, %dma_wait3A_153, %dma_wait3A_154] : memref<17x128x128xf32, #tpu.memory_space<hbm>> -> memref<1x32x128xf32, #tpu.memory_space<hbm>>
      %dma_wait3A_156 = tpu.memref_squeeze %dma_wait3A_155 : memref<1x32x128xf32, #tpu.memory_space<hbm>> -> memref<32x128xf32, #tpu.memory_space<hbm>>
      tpu.wait_dma2 semaphore(%arg9 : memref<!tpu.dma_semaphore, #tpu.memory_space<semaphore_mem>>) src(%dma_wait3A_156 : memref<32x128xf32, #tpu.memory_space<hbm>>) dst(%dma_wait3A_152 : memref<32x128xf32, #tpu.memory_space<vmem>>)
      %scan3A_157 = arith.constant 0 : i32
      %scan3A_158 = arith.constant 32 : i32
      %scan3A_159 = arith.addi %scan3A_157, %scan3A_158 : i32
      %scan3A_160 = arith.constant 1 : i32
      %scan3A_161:8 = scf.for %scan3A_286 = %scan3A_157 to %scan3A_159 step %scan3A_160 iter_args(%scan3A_287 = %scan3A_138#0, %scan3A_288 = %scan3A_138#1, %scan3A_289 = %scan3A_138#2, %scan3A_290 = %scan3A_138#3, %scan3A_291 = %scan3A_138#4, %scan3A_292 = %scan3A_138#5, %scan3A_293 = %scan3A_138#6, %scan3A_294 = %scan3A_138#7) -> (vector<16xf32>, vector<16xi32>, vector<16xf32>, vector<16xi32>, vector<16xf32>, vector<16xi32>, vector<16xf32>, vector<16xi32>)  : i32 {
        %add3A_295 = arith.constant 96 : i32
        %add3A_296 = arith.addi %scan3A_286, %add3A_295 : i32
        %mul3A_297 = arith.constant 128 : i32
        %mul3A_298 = arith.muli %add3A_296, %mul3A_297 : i32
        %add3A_299 = vector.broadcast %mul3A_298 : i32 to vector<16xi32>
        %add3A_300 = arith.addi %iota3A, %add3A_299 : vector<16xi32>
        %get3A = arith.constant 3 : i32
        %get3A_301 = arith.index_cast %get3A : i32 to index
        %get3A_302 = arith.index_cast %scan3A_286 : i32 to index
        %get3A_303 = arith.constant 0 : index
        %get3A_304 = tpu.vector_load %arg4[%get3A_301, %get3A_302, %get3A_303] {strides = array<i32>} : memref<4x32x128xf32, #tpu.memory_space<vmem>>, vector<16xf32>,
        %gt3A_305 = arith.cmpf ogt, %get3A_304, %scan3A_287 : vector<16xf32>
        %select_n3A_306 = arith.select %gt3A_305, %get3A_304, %scan3A_287 : vector<16xi1>, vector<16xf32>
        %add3A_307 = arith.constant 0 : i32
        %add3A_308 = vector.broadcast %add3A_307 : i32 to vector<16xi32>
        %add3A_309 = arith.addi %add3A_300, %add3A_308 : vector<16xi32>
        %select_n3A_310 = arith.select %gt3A_305, %add3A_309, %scan3A_288 : vector<16xi1>, vector<16xi32>
        %get3A_311 = arith.constant 3 : i32
        %get3A_312 = arith.index_cast %get3A_311 : i32 to index
        %get3A_313 = arith.index_cast %scan3A_286 : i32 to index
        %get3A_314 = arith.constant 16 : index
        %get3A_315 = tpu.vector_load %arg4[%get3A_312, %get3A_313, %get3A_314] {strides = array<i32>} : memref<4x32x128xf32, #tpu.memory_space<vmem>>, vector<16xf32>,
        %gt3A_316 = arith.cmpf ogt, %get3A_315, %scan3A_289 : vector<16xf32>
        %select_n3A_317 = arith.select %gt3A_316, %get3A_315, %scan3A_289 : vector<16xi1>, vector<16xf32>
        %add3A_318 = arith.constant 16 : i32
        %add3A_319 = vector.broadcast %add3A_318 : i32 to vector<16xi32>
        %add3A_320 = arith.addi %add3A_300, %add3A_319 : vector<16xi32>
        %select_n3A_321 = arith.select %gt3A_316, %add3A_320, %scan3A_290 : vector<16xi1>, vector<16xi32>
        %get3A_322 = arith.constant 3 : i32
        %get3A_323 = arith.index_cast %get3A_322 : i32 to index
        %get3A_324 = arith.index_cast %scan3A_286 : i32 to index
        %get3A_325 = arith.constant 32 : index
        %get3A_326 = tpu.vector_load %arg4[%get3A_323, %get3A_324, %get3A_325] {strides = array<i32>} : memref<4x32x128xf32, #tpu.memory_space<vmem>>, vector<16xf32>,
        %gt3A_327 = arith.cmpf ogt, %get3A_326, %scan3A_291 : vector<16xf32>
        %select_n3A_328 = arith.select %gt3A_327, %get3A_326, %scan3A_291 : vector<16xi1>, vector<16xf32>
        %add3A_329 = arith.constant 32 : i32
        %add3A_330 = vector.broadcast %add3A_329 : i32 to vector<16xi32>
        %add3A_331 = arith.addi %add3A_300, %add3A_330 : vector<16xi32>
        %select_n3A_332 = arith.select %gt3A_327, %add3A_331, %scan3A_292 : vector<16xi1>, vector<16xi32>
        %get3A_333 = arith.constant 3 : i32
        %get3A_334 = arith.index_cast %get3A_333 : i32 to index
        %get3A_335 = arith.index_cast %scan3A_286 : i32 to index
        %get3A_336 = arith.constant 48 : index
        %get3A_337 = tpu.vector_load %arg4[%get3A_334, %get3A_335, %get3A_336] {strides = array<i32>} : memref<4x32x128xf32, #tpu.memory_space<vmem>>, vector<16xf32>,
        %gt3A_338 = arith.cmpf ogt, %get3A_337, %scan3A_293 : vector<16xf32>
        %select_n3A_339 = arith.select %gt3A_338, %get3A_337, %scan3A_293 : vector<16xi1>, vector<16xf32>
        %add3A_340 = arith.constant 48 : i32
        %add3A_341 = vector.broadcast %add3A_340 : i32 to vector<16xi32>
        %add3A_342 = arith.addi %add3A_300, %add3A_341 : vector<16xi32>
        %select_n3A_343 = arith.select %gt3A_338, %add3A_342, %scan3A_294 : vector<16xi1>, vector<16xi32>
        %get3A_344 = arith.constant 3 : i32
        %get3A_345 = arith.index_cast %get3A_344 : i32 to index
        %get3A_346 = arith.index_cast %scan3A_286 : i32 to index
        %get3A_347 = arith.constant 64 : index
        %get3A_348 = tpu.vector_load %arg4[%get3A_345, %get3A_346, %get3A_347] {strides = array<i32>} : memref<4x32x128xf32, #tpu.memory_space<vmem>>, vector<16xf32>,
        %gt3A_349 = arith.cmpf ogt, %get3A_348, %select_n3A_306 : vector<16xf32>
        %select_n3A_350 = arith.select %gt3A_349, %get3A_348, %select_n3A_306 : vector<16xi1>, vector<16xf32>
        %add3A_351 = arith.constant 64 : i32
        %add3A_352 = vector.broadcast %add3A_351 : i32 to vector<16xi32>
        %add3A_353 = arith.addi %add3A_300, %add3A_352 : vector<16xi32>
        %select_n3A_354 = arith.select %gt3A_349, %add3A_353, %select_n3A_310 : vector<16xi1>, vector<16xi32>
        %get3A_355 = arith.constant 3 : i32
        %get3A_356 = arith.index_cast %get3A_355 : i32 to index
        %get3A_357 = arith.index_cast %scan3A_286 : i32 to index
        %get3A_358 = arith.constant 80 : index
        %get3A_359 = tpu.vector_load %arg4[%get3A_356, %get3A_357, %get3A_358] {strides = array<i32>} : memref<4x32x128xf32, #tpu.memory_space<vmem>>, vector<16xf32>,
        %gt3A_360 = arith.cmpf ogt, %get3A_359, %select_n3A_317 : vector<16xf32>
        %select_n3A_361 = arith.select %gt3A_360, %get3A_359, %select_n3A_317 : vector<16xi1>, vector<16xf32>
        %add3A_362 = arith.constant 80 : i32
        %add3A_363 = vector.broadcast %add3A_362 : i32 to vector<16xi32>
        %add3A_364 = arith.addi %add3A_300, %add3A_363 : vector<16xi32>
        %select_n3A_365 = arith.select %gt3A_360, %add3A_364, %select_n3A_321 : vector<16xi1>, vector<16xi32>
        %get3A_366 = arith.constant 3 : i32
        %get3A_367 = arith.index_cast %get3A_366 : i32 to index
        %get3A_368 = arith.index_cast %scan3A_286 : i32 to index
        %get3A_369 = arith.constant 96 : index
        %get3A_370 = tpu.vector_load %arg4[%get3A_367, %get3A_368, %get3A_369] {strides = array<i32>} : memref<4x32x128xf32, #tpu.memory_space<vmem>>, vector<16xf32>,
        %gt3A_371 = arith.cmpf ogt, %get3A_370, %select_n3A_328 : vector<16xf32>
        %select_n3A_372 = arith.select %gt3A_371, %get3A_370, %select_n3A_328 : vector<16xi1>, vector<16xf32>
        %add3A_373 = arith.constant 96 : i32
        %add3A_374 = vector.broadcast %add3A_373 : i32 to vector<16xi32>
        %add3A_375 = arith.addi %add3A_300, %add3A_374 : vector<16xi32>
        %select_n3A_376 = arith.select %gt3A_371, %add3A_375, %select_n3A_332 : vector<16xi1>, vector<16xi32>
        %get3A_377 = arith.constant 3 : i32
        %get3A_378 = arith.index_cast %get3A_377 : i32 to index
        %get3A_379 = arith.index_cast %scan3A_286 : i32 to index
        %get3A_380 = arith.constant 112 : index
        %get3A_381 = tpu.vector_load %arg4[%get3A_378, %get3A_379, %get3A_380] {strides = array<i32>} : memref<4x32x128xf32, #tpu.memory_space<vmem>>, vector<16xf32>,
        %gt3A_382 = arith.cmpf ogt, %get3A_381, %select_n3A_339 : vector<16xf32>
        %select_n3A_383 = arith.select %gt3A_382, %get3A_381, %select_n3A_339 : vector<16xi1>, vector<16xf32>
        %add3A_384 = arith.constant 112 : i32
        %add3A_385 = vector.broadcast %add3A_384 : i32 to vector<16xi32>
        %add3A_386 = arith.addi %add3A_300, %add3A_385 : vector<16xi32>
        %select_n3A_387 = arith.select %gt3A_382, %add3A_386, %select_n3A_343 : vector<16xi1>, vector<16xi32>
        scf.yield %select_n3A_350, %select_n3A_354, %select_n3A_361, %select_n3A_365, %select_n3A_372, %select_n3A_376, %select_n3A_383, %select_n3A_387 : vector<16xf32>, vector<16xi32>, vector<16xf32>, vector<16xi32>, vector<16xf32>, vector<16xi32>, vector<16xf32>, vector<16xi32>
      }
      %scan3A_162 = arith.constant 32 : i32
      %gt3A = arith.cmpf ogt, %scan3A_161#2, %scan3A_161#0 : vector<16xf32>
      %eq3A = arith.cmpf oeq, %scan3A_161#2, %scan3A_161#0 : vector<16xf32>
      %lt3A_163 = arith.cmpi slt, %scan3A_161#3, %scan3A_161#1 : vector<16xi32>
      %and3A = arith.andi %eq3A, %lt3A_163 : vector<16xi1>
      %or3A = arith.ori %gt3A, %and3A : vector<16xi1>
      %select_n3A = arith.select %or3A, %scan3A_161#2, %scan3A_161#0 : vector<16xi1>, vector<16xf32>
      %select_n3A_164 = arith.select %or3A, %scan3A_161#3, %scan3A_161#1 : vector<16xi1>, vector<16xi32>
      %gt3A_165 = arith.cmpf ogt, %scan3A_161#4, %select_n3A : vector<16xf32>
      %eq3A_166 = arith.cmpf oeq, %scan3A_161#4, %select_n3A : vector<16xf32>
      %lt3A_167 = arith.cmpi slt, %scan3A_161#5, %select_n3A_164 : vector<16xi32>
      %and3A_168 = arith.andi %eq3A_166, %lt3A_167 : vector<16xi1>
      %or3A_169 = arith.ori %gt3A_165, %and3A_168 : vector<16xi1>
      %select_n3A_170 = arith.select %or3A_169, %scan3A_161#4, %select_n3A : vector<16xi1>, vector<16xf32>
      %select_n3A_171 = arith.select %or3A_169, %scan3A_161#5, %select_n3A_164 : vector<16xi1>, vector<16xi32>
      %gt3A_172 = arith.cmpf ogt, %scan3A_161#6, %select_n3A_170 : vector<16xf32>
      %eq3A_173 = arith.cmpf oeq, %scan3A_161#6, %select_n3A_170 : vector<16xf32>
      %lt3A_174 = arith.cmpi slt, %scan3A_161#7, %select_n3A_171 : vector<16xi32>
      %and3A_175 = arith.andi %eq3A_173, %lt3A_174 : vector<16xi1>
      %or3A_176 = arith.ori %gt3A_172, %and3A_175 : vector<16xi1>
      %select_n3A_177 = arith.select %or3A_176, %scan3A_161#6, %select_n3A_170 : vector<16xi1>, vector<16xf32>
      %select_n3A_178 = arith.select %or3A_176, %scan3A_161#7, %select_n3A_171 : vector<16xi1>, vector<16xi32>
      %reduce_max3A = arith.constant true
      %reduce_max3A_179 = vector.broadcast %reduce_max3A : i1 to vector<16xi1>
      %reduce_max3A_180 = tpu.scan <max>, %select_n3A_177 masked %reduce_max3A_179 : vector<16xf32>, vector<16xi1> -> vector<16xf32>
      %reduce_max3A_181 = vector.extract %reduce_max3A_180[15] : f32 from vector<16xf32>
      %eq3A_182 = vector.broadcast %reduce_max3A_181 : f32 to vector<16xf32>
      %eq3A_183 = arith.cmpf oeq, %select_n3A_177, %eq3A_182 : vector<16xf32>
      %jit3A = arith.constant 1073741824 : i32
      %broadcast_in_dim3A_184 = vector.broadcast %jit3A : i32 to vector<16xi32>
      %select_n3A_185 = arith.select %eq3A_183, %select_n3A_178, %broadcast_in_dim3A_184 : vector<16xi1>, vector<16xi32>
      %reduce_min3A = arith.constant true
      %reduce_min3A_186 = vector.broadcast %reduce_min3A : i1 to vector<16xi1>
      %reduce_min3A_187 = arith.constant -2147483648 : i32
      %reduce_min3A_188 = vector.broadcast %reduce_min3A_187 : i32 to vector<16xi32>
      %reduce_min3A_189 = arith.xori %select_n3A_185, %reduce_min3A_188 : vector<16xi32>
      %reduce_min3A_190 = tpu.scan <min>, %reduce_min3A_189 masked %reduce_min3A_186 : vector<16xi32>, vector<16xi1> -> vector<16xi32>
      %reduce_min3A_191 = arith.xori %reduce_min3A_190, %reduce_min3A_188 : vector<16xi32>
      %reduce_min3A_192 = vector.extract %reduce_min3A_191[15] : i32 from vector<16xi32>
      %broadcast_in_dim3A_193 = vector.broadcast %reduce_max3A_181 : f32 to vector<16xf32>
      %broadcast_in_dim3A_194 = vector.broadcast %reduce_min3A_192 : i32 to vector<16xi32>
      %neg3A = arith.constant 0.000000e+00 : f32
      %neg3A_195 = vector.broadcast %neg3A : f32 to vector<16xf32>
      %neg3A_196 = arith.subf %neg3A_195, %broadcast_in_dim3A_193 : vector<16xf32>
      %exp3A = math.exp %neg3A_196 : vector<16xf32>
      %add3A_197 = arith.constant 1.000000e+00 : f32
      %add3A_198 = vector.broadcast %add3A_197 : f32 to vector<16xf32>
      %add3A_199 = arith.addf %add3A_198, %exp3A : vector<16xf32>
      %div3A = arith.constant 1.000000e+00 : f32
      %div3A_200 = vector.broadcast %div3A : f32 to vector<16xf32>
      %div3A_201 = arith.divf %div3A_200, %add3A_199 : vector<16xf32>
      %jit3A_202 = arith.constant 128 : i32
      %eq3A_203 = arith.constant 0 : i32
      %eq3A_204 = arith.cmpi eq, %jit3A_202, %eq3A_203 : i32
      %jit3A_205 = arith.constant 1 : i32
      %select_n3A_206 = arith.select %eq3A_204, %jit3A_205, %jit3A_202 : i32
      %rem3A = vector.broadcast %select_n3A_206 : i32 to vector<16xi32>
      %rem3A_207 = arith.remsi %broadcast_in_dim3A_194, %rem3A : vector<16xi32>
      %ne3A = arith.constant 0 : i32
      %ne3A_208 = vector.broadcast %ne3A : i32 to vector<16xi32>
      %ne3A_209 = arith.cmpi ne, %rem3A_207, %ne3A_208 : vector<16xi32>
      %lt3A_210 = arith.constant 0 : i32
      %lt3A_211 = vector.broadcast %lt3A_210 : i32 to vector<16xi32>
      %lt3A_212 = arith.cmpi slt, %rem3A_207, %lt3A_211 : vector<16xi32>
      %lt3A_213 = arith.constant 0 : i32
      %lt3A_214 = arith.cmpi slt, %select_n3A_206, %lt3A_213 : i32
      %ne3A_215 = vector.broadcast %lt3A_214 : i1 to vector<16xi1>
      %ne3A_216 = vector.broadcast %ne3A_215 : vector<16xi1> to vector<16xi1>
      %ne3A_217 = arith.xori %lt3A_212, %ne3A_216 : vector<16xi1>
      %and3A_218 = arith.andi %ne3A_217, %ne3A_209 : vector<16xi1>
      %add3A_219 = vector.broadcast %select_n3A_206 : i32 to vector<16xi32>
      %add3A_220 = arith.addi %rem3A_207, %add3A_219 : vector<16xi32>
      %select_n3A_221 = arith.select %and3A_218, %add3A_220, %rem3A_207 : vector<16xi1>, vector<16xi32>
      %convert_element_type3A_222 = arith.sitofp %select_n3A_221 : vector<16xi32> to vector<16xf32>
      %mul3A_223 = arith.constant 4.000000e+00 : f32
      %mul3A_224 = vector.broadcast %mul3A_223 : f32 to vector<16xf32>
      %mul3A_225 = arith.mulf %convert_element_type3A_222, %mul3A_224 : vector<16xf32>
      %jit3A_226 = arith.constant 128 : i32
      %div3A_227 = vector.broadcast %jit3A_226 : i32 to vector<16xi32>
      %div3A_228 = arith.divsi %broadcast_in_dim3A_194, %div3A_227 : vector<16xi32>
      %sign3A = arith.constant 0 : i32
      %sign3A_229 = vector.broadcast %sign3A : i32 to vector<16xi32>
      %sign3A_230 = arith.cmpi sgt, %broadcast_in_dim3A_194, %sign3A_229 : vector<16xi32>
      %sign3A_231 = arith.extui %sign3A_230 : vector<16xi1> to vector<16xi32>
      %sign3A_232 = arith.constant 0 : i32
      %sign3A_233 = vector.broadcast %sign3A_232 : i32 to vector<16xi32>
      %sign3A_234 = arith.cmpi slt, %broadcast_in_dim3A_194, %sign3A_233 : vector<16xi32>
      %sign3A_235 = arith.extui %sign3A_234 : vector<16xi1> to vector<16xi32>
      %sign3A_236 = arith.subi %sign3A_231, %sign3A_235 : vector<16xi32>
      %sign3A_237 = arith.constant 0 : i32
      %sign3A_238 = arith.cmpi sgt, %jit3A_226, %sign3A_237 : i32
      %sign3A_239 = arith.extui %sign3A_238 : i1 to i32
      %sign3A_240 = arith.constant 0 : i32
      %sign3A_241 = arith.cmpi slt, %jit3A_226, %sign3A_240 : i32
      %sign3A_242 = arith.extui %sign3A_241 : i1 to i32
      %sign3A_243 = arith.subi %sign3A_239, %sign3A_242 : i32
      %ne3A_244 = vector.broadcast %sign3A_243 : i32 to vector<16xi32>
      %ne3A_245 = arith.cmpi ne, %sign3A_236, %ne3A_244 : vector<16xi32>
      %rem3A_246 = vector.broadcast %jit3A_226 : i32 to vector<16xi32>
      %rem3A_247 = arith.remsi %broadcast_in_dim3A_194, %rem3A_246 : vector<16xi32>
      %ne3A_248 = arith.constant 0 : i32
      %ne3A_249 = vector.broadcast %ne3A_248 : i32 to vector<16xi32>
      %ne3A_250 = arith.cmpi ne, %rem3A_247, %ne3A_249 : vector<16xi32>
      %and3A_251 = arith.andi %ne3A_245, %ne3A_250 : vector<16xi1>
      %sub3A = arith.constant 1 : i32
      %sub3A_252 = vector.broadcast %sub3A : i32 to vector<16xi32>
      %sub3A_253 = arith.subi %div3A_228, %sub3A_252 : vector<16xi32>
      %select_n3A_254 = arith.select %and3A_251, %sub3A_253, %div3A_228 : vector<16xi1>, vector<16xi32>
      %convert_element_type3A_255 = arith.sitofp %select_n3A_254 : vector<16xi32> to vector<16xf32>
      %mul3A_256 = arith.constant 4.000000e+00 : f32
      %mul3A_257 = vector.broadcast %mul3A_256 : f32 to vector<16xf32>
      %mul3A_258 = arith.mulf %convert_element_type3A_255, %mul3A_257 : vector<16xf32>
      %eq3A_259 = arith.constant 0 : i32
      %eq3A_260 = vector.broadcast %eq3A_259 : i32 to vector<16xi32>
      %eq3A_261 = arith.cmpi eq, %iota3A, %eq3A_260 : vector<16xi32>
      %eq3A_262 = arith.constant 1 : i32
      %eq3A_263 = vector.broadcast %eq3A_262 : i32 to vector<16xi32>
      %eq3A_264 = arith.cmpi eq, %iota3A, %eq3A_263 : vector<16xi32>
      %eq3A_265 = arith.constant 2 : i32
      %eq3A_266 = vector.broadcast %eq3A_265 : i32 to vector<16xi32>
      %eq3A_267 = arith.cmpi eq, %iota3A, %eq3A_266 : vector<16xi32>
      %jit3A_268 = arith.constant -1.000000e+00 : f32
      %broadcast_in_dim3A_269 = vector.broadcast %jit3A_268 : f32 to vector<16xf32>
      %select_n3A_270 = arith.select %eq3A_267, %div3A_201, %broadcast_in_dim3A_269 : vector<16xi1>, vector<16xf32>
      %select_n3A_271 = arith.select %eq3A_264, %mul3A_258, %select_n3A_270 : vector<16xi1>, vector<16xf32>
      %select_n3A_272 = arith.select %eq3A_261, %mul3A_225, %select_n3A_271 : vector<16xi1>, vector<16xf32>
      %eq3A_273 = arith.constant 2 : i32
      %eq3A_274 = vector.broadcast %eq3A_273 : i32 to vector<16xi32>
      %eq3A_275 = arith.cmpi eq, %iota3A, %eq3A_274 : vector<16xi32>
      %jit3A_276 = arith.constant -1.000000e+00 : f32
      %jit3A_277 = arith.constant -4.000000e+00 : f32
      %broadcast_in_dim3A_278 = vector.broadcast %jit3A_276 : f32 to vector<16xf32>
      %broadcast_in_dim3A_279 = vector.broadcast %jit3A_277 : f32 to vector<16xf32>
      %select_n3A_280 = arith.select %eq3A_275, %broadcast_in_dim3A_278, %broadcast_in_dim3A_279 : vector<16xi1>, vector<16xf32>
      %gt3A_281 = arith.constant 8.000000e-01 : f32
      %gt3A_282 = vector.broadcast %gt3A_281 : f32 to vector<16xf32>
      %gt3A_283 = arith.cmpf ogt, %div3A_201, %gt3A_282 : vector<16xf32>
      %select_n3A_284 = arith.select %gt3A_283, %select_n3A_272, %select_n3A_280 : vector<16xi1>, vector<16xf32>
      %swap3A = arith.constant 0 : index
      %swap3A_285 = tpu.vector_load %arg5[%swap3A] {strides = array<i32>} : memref<16xf32, #tpu.memory_space<vmem>>, vector<16xf32>,
      tpu.vector_store %arg5[%swap3A], %select_n3A_284 {strides = array<i32>} : memref<16xf32, #tpu.memory_space<vmem>>, vector<16xf32>,
      "tpu.region"() ({
        %run_scoped3A = tpu.sem_alloc : memref<!tpu.dma_semaphore, #tpu.memory_space<semaphore_mem>>
        %dma_start3A_286 = arith.constant 0 : i32
        %dma_start3A_287 = tpu.memref_slice %arg3[%add3A, %dma_start3A_286] : memref<17x16xf32, #tpu.memory_space<hbm>> -> memref<1x16xf32, #tpu.memory_space<hbm>>
        %dma_start3A_288 = tpu.memref_squeeze %dma_start3A_287 : memref<1x16xf32, #tpu.memory_space<hbm>> -> memref<16xf32, #tpu.memory_space<hbm>>
        %dma_start3A_289 = arith.constant 0 : i32
        %dma_start3A_290 = tpu.memref_slice %arg3[%add3A, %dma_start3A_289] : memref<17x16xf32, #tpu.memory_space<hbm>> -> memref<1x16xf32, #tpu.memory_space<hbm>>
        %dma_start3A_291 = tpu.memref_squeeze %dma_start3A_290 : memref<1x16xf32, #tpu.memory_space<hbm>> -> memref<16xf32, #tpu.memory_space<hbm>>
        tpu.enqueue_dma source(%arg5 : memref<16xf32, #tpu.memory_space<vmem>>) target(%dma_start3A_291 : memref<16xf32, #tpu.memory_space<hbm>>) target_semaphore(%run_scoped3A : memref<!tpu.dma_semaphore, #tpu.memory_space<semaphore_mem>>)
        %dma_wait3A_292 = arith.constant 0 : i32
        %dma_wait3A_293 = tpu.memref_slice %arg3[%add3A, %dma_wait3A_292] : memref<17x16xf32, #tpu.memory_space<hbm>> -> memref<1x16xf32, #tpu.memory_space<hbm>>
        %dma_wait3A_294 = tpu.memref_squeeze %dma_wait3A_293 : memref<1x16xf32, #tpu.memory_space<hbm>> -> memref<16xf32, #tpu.memory_space<hbm>>
        %dma_wait3A_295 = arith.constant 0 : i32
        %dma_wait3A_296 = tpu.memref_slice %arg3[%add3A, %dma_wait3A_295] : memref<17x16xf32, #tpu.memory_space<hbm>> -> memref<1x16xf32, #tpu.memory_space<hbm>>
        %dma_wait3A_297 = tpu.memref_squeeze %dma_wait3A_296 : memref<1x16xf32, #tpu.memory_space<hbm>> -> memref<16xf32, #tpu.memory_space<hbm>>
        tpu.wait_dma2 semaphore(%run_scoped3A : memref<!tpu.dma_semaphore, #tpu.memory_space<semaphore_mem>>) src(%arg5 : memref<16xf32, #tpu.memory_space<vmem>>) dst(%dma_wait3A_297 : memref<16xf32, #tpu.memory_space<hbm>>)
        tpu.yield
      }) : () -> ()
    } else {
    }
    return
  }
}

</mosaic_0001>

<sc_bundles>
// kernel: kernel.3.cloned.1.call-start
scs
__scs_entry_jumppad:
0x0: {  	(pc) =	sbr.rel $0x88, $3  }
0x1: {  	(tag) =	ssettag $0x0;
	lr =	simm.s32 $0x1  }
0x2: {  	[smem:$0x3FA0] =	sst lr;
	_ =	strace $0xD0000000  }
0x3: {  	_ = 	snop  }
0x4: {  	_ = 	snop  }
0x5: {  	_ = 	snop  }
0x6: {  	_ = 	snop  }
0x7: {  	_ = 	snop  }
__scs_overlays_trampoline_lowered:
0x8: {  	[smem:$0x3FAF] =	sst s0  }
0x9: {  	[smem:$0x3FB0] =	sst s1  }
0xa: {  	[smem:$0x3FB1] =	sst s2  }
0xb: {  	[smem:$0x3FB2] =	sst s3  }
0xc: {  	[smem:$0x3FB3] =	sst s4  }
0xd: {  	[smem:$0x3FB4] =	sst s5  }
0xe: {  	[smem:$0x3FB5] =	sst s6  }
0xf: {  	[smem:$0x3FB6] =	sst s7  }
0x10: {  	[smem:$0x3FB7] =	sst s8  }
0x11: {  	[smem:$0x3FB8] =	sst s9;
	s0 =	simm.s32 @!p0 $0x0  }
0x12: {  	s1 =	sld [smem:$0x3F9E];
	s0 =	simm.s32 @p0 $0x1  }
0x13: {  	[smem:$0x3FB9] =	sst s0;
	s0 =	simm.s32 @!p1 $0x0  }
0x14: {  	s2 =	sld [smem:$0x3F9D];
	s0 =	simm.s32 @p1 $0x1  }
0x15: {  	[smem:$0x3FBA] =	sst s0;
	s0 =	simm.s32 @!p2 $0x0  }
0x16: {  	s3 =	sld [smem:$0x3FDB];
	s0 =	simm.s32 @p2 $0x1  }
0x17: {  	s4 =	simm.s32 $0x1BF5;
	[smem:$0x3FBC] =	sst s0  }
0x18: {  	s0 =	sld [smem:$0x3F9F];
	_ =	swait.ge [sflag:s4], $0x0  }
0x19: {  	s7 =	sld [smem:$0x3FA0]  }
0x1a: {  	s8 =	sadd.s32 $0xFFFFE003, lr  }
0x1b: {  	s9 =	sadd.s32 $0xFFFFFEF7, lr;
	s5 =	simm.s32 $0xFFFFFFFF;
	p2 =	slt.u32 s8, $0xFFFFF086  }
0x1c: {  	p1 =	slt.u32 s9, $0xF7A;
	s5 =	simm.s32 @!p2 $0x0  }
0x1d: {  	s5 =	simm.s32 @p1 $0x1;
	p0 =	seq.s32 s7, s2  }
0x1e: {  	s7 =	smul.u32 @!p0 $0xF7A, s2;
	p2 =	seq.s32 @!p0 s5, $0x0  }
0x1f: {  	s9 =	smul.u32 $0xF7A, s1;
	s8 =	simm.s32 @!p0 $0x1BF5;
	p2 =	por !p2, p0  }
0x20: {  	[sflag:s8] =	ssyncset.s32 @!p0 $0xFFFFF086;
	s6 =	sadd.s32 @!p0 s3, s7;
	s7 =	simm.s32 @!p0 $0x108  }
0x21: {  	s3 =	sadd.s32 s3, s9;
	s6 =	sadd.s32 @!p0 $0x88, s6;
	s7 =	simm.s32 @p2 $0x1082  }
0x22: {  	[simem:s7], [sflag:s8] =	dma.local @!p0 [hbm:s6], $0xF7A  }
0x23: {  	s9 =	sor.u32 $0xD0000000, s2;
	s6 =	simm.s32 $0x108;
	_ =	swait.ge @!p0 [sflag:s8], $0x0  }
0x24: {  	s3 =	sadd.s32 $0x88, s3;
	s6 =	simm.s32 @!p1 $0x1082;
	[sflag:s4] =	ssyncset.s32 $0xFFFFF086  }
0x25: {  	[simem:s6], [sflag:s4] =	dma.local [hbm:s3], $0xF7A  }
0x26: {  	[smem:$0x3FA0] =	sst s1;
	(tag) =	ssettag s2;
	_ =	strace s9  }
0x27: {  	s1 =	sld [smem:$0x3FB0]  }
0x28: {  	s2 =	sld [smem:$0x3FB1]  }
0x29: {  	s4 =	sld [smem:$0x3FB3]  }
0x2a: {  	p0 =	seq.s32 s5, $0x0;
	s5 =	sld [smem:$0x3FB4]  }
0x2b: {  	s6 =	sld [smem:$0x3FB5]  }
0x2c: {  	s7 =	sld [smem:$0x3FB6]  }
0x2d: {  	s3 =	simm.s32 $0x108;
	s8 =	sld [smem:$0x3FB7]  }
0x2e: {  	s3 =	simm.s32 @!p0 $0x1082;
	s9 =	sld [smem:$0x3FB8]  }
0x2f: {  	lr =	sadd.s32 s0, s3;
	s0 =	sld [smem:$0x3FAF]  }
0x30: {  	s3 =	sld [smem:$0x3FB2]  }
0x31: {  	[smem:$0x3FBB] =	sst s10  }
0x32: {  	s10 =	sld [smem:$0x3FB9];
	_ =	sdelay $0x3  }
0x33: {  	p0 =	seq.s32 s10, $0x1;
	s10 =	sld [smem:$0x3FBB];
	_ =	sdelay $0x3  }
0x34: {  	[smem:$0x3FBB] =	sst s10  }
0x35: {  	s10 =	sld [smem:$0x3FBA];
	_ =	sdelay $0x3  }
0x36: {  	p1 =	seq.s32 s10, $0x1;
	s10 =	sld [smem:$0x3FBB];
	_ =	sdelay $0x3  }
0x37: {  	[smem:$0x3FBB] =	sst s10  }
0x38: {  	s10 =	sld [smem:$0x3FBC]  }
0x39: {  	_ = 	snop;
	(pc) =	sbr.ind lr, $3  }
0x3a: {  	_ = 	snop  }
0x3b: {  	_ = 	snop  }
0x3c: {  	p2 =	seq.s32 s10, $0x1;
	s10 =	sld [smem:$0x3FBB]  }
0x3d: {  	_ =	shalt  }
0x3e: {  	_ =	shalt  }
0x3f: {  	_ =	shalt  }
0x40: {  	_ =	shalt  }
0x41: {  	_ =	shalt  }
0x42: {  	_ =	shalt  }
0x43: {  	_ =	shalt  }
0x44: {  	_ =	shalt  }
0x45: {  	_ =	shalt  }
0x46: {  	_ =	shalt  }
0x47: {  	_ =	shalt  }
0x48: {  	_ =	shalt  }
0x49: {  	_ =	shalt  }
0x4a: {  	_ =	shalt  }
0x4b: {  	_ =	shalt  }
0x4c: {  	_ =	shalt  }
0x4d: {  	_ =	shalt  }
0x4e: {  	_ =	shalt  }
0x4f: {  	_ =	shalt  }
0x50: {  	_ =	shalt  }
0x51: {  	_ =	shalt  }
0x52: {  	_ =	shalt  }
0x53: {  	_ =	shalt  }
0x54: {  	_ =	shalt  }
0x55: {  	_ =	shalt  }
0x56: {  	_ =	shalt  }
0x57: {  	_ =	shalt  }
0x58: {  	_ =	shalt  }
0x59: {  	_ =	shalt  }
0x5a: {  	_ =	shalt  }
0x5b: {  	_ =	shalt  }
0x5c: {  	_ =	shalt  }
0x5d: {  	_ =	shalt  }
0x5e: {  	_ =	shalt  }
0x5f: {  	_ =	shalt  }
0x60: {  	_ =	shalt  }
0x61: {  	_ =	shalt  }
0x62: {  	_ =	shalt  }
0x63: {  	_ =	shalt  }
0x64: {  	_ =	shalt  }
0x65: {  	_ =	shalt  }
0x66: {  	_ =	shalt  }
0x67: {  	_ =	shalt  }
0x68: {  	_ =	shalt  }
0x69: {  	_ =	shalt  }
0x6a: {  	_ =	shalt  }
0x6b: {  	_ =	shalt  }
0x6c: {  	_ =	shalt  }
0x6d: {  	_ =	shalt  }
0x6e: {  	_ =	shalt  }
0x6f: {  	_ =	shalt  }
0x70: {  	_ =	shalt  }
0x71: {  	_ =	shalt  }
0x72: {  	_ =	shalt  }
0x73: {  	_ =	shalt  }
0x74: {  	_ =	shalt  }
0x75: {  	_ =	shalt  }
0x76: {  	_ =	shalt  }
0x77: {  	_ =	shalt  }
0x78: {  	_ =	shalt  }
0x79: {  	_ =	shalt  }
0x7a: {  	_ =	shalt  }
0x7b: {  	_ =	shalt  }
0x7c: {  	_ =	shalt  }
0x7d: {  	_ =	shalt  }
0x7e: {  	_ =	shalt  }
0x7f: {  	_ =	shalt  }
0x80: {  	_ =	shalt  }
0x81: {  	_ =	shalt  }
0x82: {  	_ =	shalt  }
0x83: {  	_ =	shalt  }
0x84: {  	_ =	shalt  }
0x85: {  	_ =	shalt  }
0x86: {  	_ =	shalt  }
0x87: {  	_ =	shalt  }
.Lfunc_end0:
.L_simem_size_0:
called_computation_lowered:
.L_overlay_start_0:
0x88: {  	s2 =	sld [smem:$0x3FD9]  }
0x89: {  	s3 =	sld [smem:$0x3FFE];
	_ =	sdelay $0x1  }
0x8a: {  	s1 =	srdreg.scid  }
0x8b: {  	s0 =	sand.u32 $0x1, s1  }
0x8c: {  	s17 =	sshll.u32 s0, $0xA;
	s2 =	sadd.s32 s3, s2  }
0x8d: {  	s2 =	sadd.s32 s2, s17  }
0x8e: {  	[smem:$0x3FC7] =	sst s2  }
0x8f: {  	_ = 	snop  }
0x90: {  	s2 =	sld [smem:$0x3FC9];
	(tm) =	ssettm $0x1  }
0x91: {  	s18 =	sld [smem:$0x3FFB];
	_ =	sdelay $0x3  }
0x92: {  	_ =	strace s18  }
0x93: {  	s3 =	sld [smem:$0x3FFC];
	_ =	sdelay $0x3  }
0x94: {  	_ =	strace s3  }
0x95: {  	s3 =	sld [smem:$0x3FFD];
	_ =	sdelay $0x3  }
0x96: {  	_ =	strace s3  }
0x97: {  	_ =	strace $0x8FFFFFFF  }
0x98: {  	s19 =	sld [smem:$0x3FDB];
	_ =	sdelay $0x1  }
0x99: {  	s4 =	simm.s32 $_scs_section_size  }
0x9a: {  	s5 =	simm.s32 $_size__tile_overlayer_lowered;
	s6 =	simm.s32 $_tile_overlayer_lowered  }
0x9b: {  	s22 =	simm.s32 $0x1BFF;
	s21 =	sshll.u32 s6, $0x1;
	s3 =	sadd.s32 s4, s19  }
0x9c: {  	s7 =	simm.s32 $0x0;
	s20 =	sshll.u32 s5, $0x1;
	s5 =	sadd.s32 s21, s3  }
0x9d: {  	[timem:s7], [sflag:s22] =	dma.local [hbm:s5], s20  }
0x9e: {  	_ =	swait.ge [sflag:s22], s20  }
0x9f: {  	s4 =	ssub.s32 $0x0, s20;
	[sflag:s22] =	ssyncset.done $0x0  }
0xa0: {  	[sflag:s22] =	ssyncadd.s32 s4;
	_ =	sdelay $0x1  }
0xa1: {  	s23 =	simm.s32 $0x1B8B  }
0xa2: {  	_ =	swait.ge [sflag:s23], $0x1  }
0xa3: {  	[sflag:s23] =	ssyncset.done $0x0  }
0xa4: {  	s25 =	simm.s32 $0x1B8E;
	s24 =	sld [smem:$0x3FFE];
	[sflag:s23] =	ssyncadd.s32 $0xFFFFFFFF  }
0xa5: {  	s26 =	simm.s32 $execute0_lowered;
	[smem:$0x3FD2] =	sst s25  }
0xa6: {  	s5 =	sshll.u32 s26, $0x1;
	_ =	strace $0x80000046;
	[dreg:$0x1] =	wrdreg $0xFFFFFFFF  }
0xa7: {  	s28 =	simm.s32 $_size_execute0_lowered;
	s3 =	sadd.s32 s3, s5;
	[dreg:$0x0] =	wrdreg $0x0  }
0xa8: {  	s5 =	sshll.u32 s28, $0x1;
	[dreg:$0x2] =	wrdreg s3  }
0xa9: {  	[dreg:$0x3] =	wrdreg s5  }
0xaa: {  	[dreg:$0x4] =	wrdreg $0xC0  }
0xab: {  	_ =	task [dreg:s7], $0x5FFFF  }
0xac: {  	[dreg:$0x1] =	wrdreg $0xFFFFFFFF  }
0xad: {  	[dreg:$0x0] =	wrdreg $0x60  }
0xae: {  	[dreg:$0x2] =	wrdreg s2  }
0xaf: {  	[dreg:$0x3] =	wrdreg s24  }
0xb0: {  	[dreg:$0x4] =	wrdreg $0x9  }
0xb1: {  	_ =	task.clear_ibuf [dreg:s7], $0x5FFFF;
	_ =	strace $0x90000046  }
0xb2: {  	s29 =	simm.s32 $0x9;
	_ =	strace $0x80000048  }
0xb3: {  	_ =	swait.ge [sflag:s29], $0x1  }
0xb4: {  	[sflag:s29] =	ssyncadd.s32 $0xFFFFFFFF  }
0xb5: {  	_ =	strace $0x90000048  }
0xb6: {  	_ =	sfence  }
0xb7: {  	s30 =	sld [smem:$0x0];
	_ =	sdelay $0x2  }
0xb8: {  	s31 =	sshll.u32 s1, $0xD;
	s1 =	sshrl.u32 s1, $0x2  }
0xb9: {  	s3 =	sand.u32 $0x4000, s31;
	s1 =	sadd.s32 s1, s30  }
0xba: {  	s0 =	sor.u32 s3, s0;
	s1 =	sshll.u32 s1, $0x11  }
0xbb: {  	s0 =	sor.u32 s1, s0  }
0xbc: {  	s0 =	sadd.s32 $0x8F2B, s0  }
0xbd: {  	[sflag:s0] =	ssyncadd.remote.s32 $0x1  }
0xbe: {  	_ =	sfence.sel $0xFFFF  }
0xbf: {  	[dreg:$0x0] =	wrdreg $0xFFFFFFFF;
	(pc) =	sbr.abs _section_cstart, $3  }
0xc0: {  	[dreg:$0x1] =	wrdreg $0xFFFFFFFF  }
0xc1: {  	_ =	task.clear_ibuf [dreg:s7], $0x2FFFF;
	_ =	strace $0x9FFFFFFF  }
0xc2: {  	(tm) =	ssettm $0x7FFFFFFF  }
0xc3: {  	_ =	shalt  }
tec
execute0_lowered:
.L_overlay_start_1:
0x0: {  	(tag) =	ssettag $0x1  }
0x1: {  	s0 =	srdreg.scid  }
0x2: {  	s3 =	sand.u32 $0x1, s0  }
0x3: {  	s1 =	stileid.u32;
	s6 =	sshll.u32 s3, $0x4  }
0x4: {  	s6 =	sor.u32 s1, s6  }
0x5: {  	p0 =	sgt.u32 s6, $0x10  }
.Ltmp0:
0x6: {  	_ = 	snop;
	(pc) =	sbr.rel @p0 .LBB2_11-.Ltmp0, $4  }
0x7: {  	s4 =	rddreg [dreg:$0x0]  }
0x8: {  	s5 =	rddreg [dreg:$0x1];
	s2 =	simm.s32 $0x0  }
0x9: {  	[smem:$0x7FF] =	sst s2  }
0xa: {  	s0 =	rddreg [dreg:$0x2];
	_ =	strace $0x80000047  }
0xb: {  	s7 =	sshll.u32 s1, $0x4;
	s8 =	sshll.u32 s6, $0x4  }
0xc: {  	s28 =	ssub.s32 $0x2, s3;
	s29 =	sshll.u32 s6, $0xB;
	s9 =	simm.s32 $0x1000  }
0xd: {  	s10 =	simm.s32 $0x2000;
	s11 =	simm.s32 $0x3000;
	s12 =	simm.s32 $0x1  }
0xe: {  	s13 =	simm.s32 $0x2;
	s14 =	simm.s32 $0x3;
	s15 =	simm.s32 $0x4  }
0xf: {  	v0 =	vlaneseq.u32;
	v8 =	vimm.s32 $0x0;
	s16 =	simm.s32 $0x4000;
	s17 =	simm.s32 $0x5;
	s18 =	simm.s32 $0x0  }
0x10: {  	v9 =	vimm.f32 $-4.000000000e+00;
	vm2 =	vcmask $0xB08;
	vm0 =	vcmask $0x3F0C;
	s7 =	sand.u32 $0x70, s7;
	s26 =	sand.u32 $0x180, s8;
	s30 =	sshrl.u32 s28, $0x1  }
0x11: {  	vm1 =	vcmask $0x3F08;
	s4 =	sadd.s32 s4, s29;
	v1 =	vor.u32 $0x10, v0;
	v2 =	vor.u32 $0x20, v0;
	s5 =	sadd.s32 s7, s5;
	s31 =	ssub.s32 s28, s30  }
0x12: {  	v3 =	vor.u32 $0x30, v0;
	v4 =	vor.u32 $0x40, v0;
	v5 =	vor.u32 $0x50, v0;
	s6 =	sadd.s32 $0x400, s4;
	s7 =	sadd.s32 $0x200, s4;
	s5 =	sadd.s32 s26, s5  }
0x13: {  	v6 =	vor.u32 $0x60, v0;
	v7 =	vor.u32 $0x70, v0;
	v9 =	vsel vm2, $0xBF800000, v9;
	s8 =	smax.u32 s31, $0x1;
	s3 =	sadd.s32 $0x400, s5;
	s5 =	sadd.s32 $0x600, s4  }
.LBB2_2:
0x14: {  	s19 =	simm.s32 $0x0  }
0x15: {  	[tilespmem:s19], [sflag:$0x1] =	stream.linear.gather [hbm4b:s4+s19], $0x1000, $0x38;
	[tilespmem:$0x4080] =	vst v63  }
0x16: {  	_ = 	snop  }
0x17: {  	[tilespmem:s9], [sflag:$0x2] =	stream.linear.gather [hbm4b:s7+s19], $0x1000, $0x38;
	[tilespmem:$0x4080] =	vst v63  }
0x18: {  	_ = 	snop  }
0x19: {  	[tilespmem:s10], [sflag:$0x3] =	stream.linear.gather [hbm4b:s6+s19], $0x1000, $0x38;
	[tilespmem:$0x4080] =	vst v63  }
0x1a: {  	_ = 	snop  }
0x1b: {  	[tilespmem:s11], [sflag:$0x4] =	stream.linear.gather [hbm4b:s5+s19], $0x1000, $0x38;
	[tilespmem:$0x4080] =	vst v63  }
0x1c: {  	_ =	swait.ge [sflag:s12], $0x1000  }
0x1d: {  	[sflag:s12] =	ssyncset.done $0x0  }
0x1e: {  	s20 =	simm.s32 $0x40;
	[sflag:s12] =	ssyncadd.s32 $0xFFFFF000  }
0x1f: {  	v15 =	vld [tilespmem:s20+$0x0]  }
0x20: {  	v24 =	vld [tilespmem:s20+$0xFFFFFFC0]  }
0x21: {  	v16 =	vimm.f32 $-Inf;
	v11 =	vld [tilespmem:s20+$0x10]  }
0x22: {  	v17 =	vimm.s32 $0x0;
	v21 =	vimm.f32 $-Inf;
	v18 =	vimm.f32 $-Inf;
	v20 =	vld [tilespmem:s20+$0xFFFFFFD0]  }
0x23: {  	v19 =	vimm.f32 $-Inf;
	v13 =	vimm.s32 $0x0;
	v14 =	vimm.s32 $0x0;
	v22 =	vld [tilespmem:s20+$0xFFFFFFE0]  }
0x24: {  	s21 =	simm.s32 $0x80;
	v12 =	vimm.s32 $0x0;
	v25 =	vor.u32 s19, v4;
	v10 =	vor.u32 s19, v5;
	v23 =	vld [tilespmem:s20+$0xFFFFFFF0]  }
.LBB2_3:
0x25: {  	p0 =	sne.s32 s21, $0xF80;
	v26 =	vor.u32 s19, v0;
	vm2 =	vgt.f32 v24, v16;
	v27 =	vld [tilespmem:s20+$0x20];
	v28 =	vor.u32 s19, v6  }
0x26: {  	v29 =	vor.u32 s19, v7;
	v16 =	vsel vm2, v24, v16;
	v17 =	vsel vm2, v26, v17;
	v26 =	vld [tilespmem:s20+$0x30]  }
0x27: {  	v30 =	vor.u32 s19, v1;
	v31 =	vor.u32 s19, v2;
	vm2 =	vgt.f32 v15, v16  }
0x28: {  	v32 =	vor.u32 s19, v3;
	s19 =	smov.u32 s21;
	v16 =	vsel vm2, v15, v16;
	v17 =	vsel vm2, v25, v17  }
0x29: {  	s20 =	sadd.s32 $0x80, s20;
	vm2 =	vgt.f32 v20, v21;
	vm3 =	vgt.f32 v22, v18;
	vm4 =	vgt.f32 v23, v19  }
0x2a: {  	v20 =	vsel vm2, v20, v21;
	v18 =	vsel vm3, v22, v18;
	v15 =	vld [tilespmem:s20+$0x0];
	v19 =	vsel vm4, v23, v19  }
.Ltmp1:
0x2b: {  	vm5 =	vgt.f32 v11, v20;
	vm6 =	vgt.f32 v27, v18;
	v24 =	vld [tilespmem:s20+$0xFFFFFFC0];
	vm7 =	vgt.f32 v26, v19;
	(pc) =	sbr.rel @p0 .LBB2_3-.Ltmp1, $4  }
0x2c: {  	v21 =	vsel vm5, v11, v20;
	v18 =	vsel vm6, v27, v18;
	v11 =	vld [tilespmem:s20+$0x10];
	v19 =	vsel vm7, v26, v19  }
0x2d: {  	v13 =	vsel vm2, v30, v13;
	v14 =	vsel vm3, v31, v14;
	v12 =	vsel vm4, v32, v12;
	v20 =	vld [tilespmem:s20+$0xFFFFFFD0]  }
0x2e: {  	v13 =	vsel vm5, v10, v13;
	v14 =	vsel vm6, v28, v14;
	v12 =	vsel vm7, v29, v12;
	v22 =	vld [tilespmem:s20+$0xFFFFFFE0]  }
0x2f: {  	s21 =	sadd.s32 $0x80, s21;
	v25 =	vor.u32 s19, v4;
	v10 =	vor.u32 s19, v5;
	v23 =	vld [tilespmem:s20+$0xFFFFFFF0]  }
0x30: {  	v26 =	vor.u32 s19, v0;
	vm2 =	vgt.f32 v24, v16  }
0x31: {  	v27 =	vld [tilespmem:s20+$0x20];
	v28 =	vor.u32 s19, v6;
	v29 =	vor.u32 s19, v7;
	v16 =	vsel vm2, v24, v16  }
0x32: {  	v30 =	vor.u32 s19, v1;
	v17 =	vsel vm2, v26, v17;
	v26 =	vld [tilespmem:s20+$0x30];
	_ =	swait.ge [sflag:s13], $0x1000;
	vm2 =	vgt.f32 v15, v16  }
0x33: {  	[sflag:s13] =	ssyncset.done $0x0;
	v16 =	vsel vm2, v15, v16;
	v17 =	vsel vm2, v25, v17;
	vm2 =	vgt.f32 v20, v21  }
0x34: {  	s20 =	simm.s32 $0x1070;
	vm3 =	vgt.f32 v22, v18;
	[sflag:s13] =	ssyncadd.s32 $0xFFFFF000;
	vm4 =	vgt.f32 v23, v19;
	v15 =	vsel vm2, v20, v21  }
0x35: {  	v20 =	vsel vm3, v22, v18;
	v21 =	vld [tilespmem:s20+$0xFFFFFFD0];
	v13 =	vsel vm2, v30, v13;
	v22 =	vsel vm4, v23, v19  }
0x36: {  	v24 =	vld [tilespmem:s20+$0xFFFFFF90];
	vm5 =	vgt.f32 v11, v15;
	vm6 =	vgt.f32 v27, v20;
	v23 =	vor.u32 s19, v3  }
0x37: {  	vm7 =	vgt.f32 v26, v22;
	v18 =	vsel vm5, v11, v15;
	v15 =	vor.u32 s19, v2;
	v11 =	vld [tilespmem:s20+$0xFFFFFFE0]  }
0x38: {  	v19 =	vsel vm6, v27, v20;
	s19 =	simm.s32 $0x1000;
	v20 =	vsel vm7, v26, v22;
	v14 =	vsel vm3, v15, v14;
	v22 =	vld [tilespmem:s20+$0xFFFFFFA0]  }
0x39: {  	v15 =	vsel vm4, v23, v12;
	v12 =	vsel vm5, v10, v13;
	v10 =	vld [tilespmem:s20+$0xFFFFFFB0];
	v25 =	vor.u32 s19, v4  }
0x3a: {  	s21 =	simm.s32 $0x1080;
	v23 =	vld [tilespmem:s20+$0xFFFFFFC0];
	v13 =	vsel vm6, v28, v14;
	v14 =	vsel vm7, v29, v15;
	v15 =	vor.u32 s19, v5  }
.LBB2_5:
0x3b: {  	p0 =	sne.s32 s21, $0x1F80;
	v26 =	vor.u32 s19, v0;
	vm2 =	vgt.f32 v24, v16;
	v27 =	vld [tilespmem:s20+$0xFFFFFFF0];
	v28 =	vor.u32 s19, v6  }
0x3c: {  	v29 =	vor.u32 s19, v7;
	v16 =	vsel vm2, v24, v16;
	v17 =	vsel vm2, v26, v17;
	v26 =	vld [tilespmem:s20+$0x0]  }
0x3d: {  	v30 =	vor.u32 s19, v1;
	v31 =	vor.u32 s19, v2;
	vm2 =	vgt.f32 v21, v16  }
0x3e: {  	v32 =	vor.u32 s19, v3;
	s19 =	smov.u32 s21;
	v16 =	vsel vm2, v21, v16;
	v17 =	vsel vm2, v25, v17  }
0x3f: {  	s20 =	sadd.s32 $0x80, s20;
	vm2 =	vgt.f32 v22, v18;
	vm3 =	vgt.f32 v10, v19;
	vm4 =	vgt.f32 v23, v20  }
0x40: {  	v18 =	vsel vm2, v22, v18;
	v10 =	vsel vm3, v10, v19;
	v21 =	vld [tilespmem:s20+$0xFFFFFFD0];
	v20 =	vsel vm4, v23, v20  }
.Ltmp2:
0x41: {  	vm5 =	vgt.f32 v11, v18;
	vm6 =	vgt.f32 v27, v10;
	v24 =	vld [tilespmem:s20+$0xFFFFFF90];
	vm7 =	vgt.f32 v26, v20;
	(pc) =	sbr.rel @p0 .LBB2_5-.Ltmp2, $4  }
0x42: {  	v18 =	vsel vm5, v11, v18;
	v19 =	vsel vm6, v27, v10;
	v11 =	vld [tilespmem:s20+$0xFFFFFFE0];
	v20 =	vsel vm7, v26, v20  }
0x43: {  	v12 =	vsel vm2, v30, v12;
	v13 =	vsel vm3, v31, v13;
	v14 =	vsel vm4, v32, v14;
	v22 =	vld [tilespmem:s20+$0xFFFFFFA0]  }
0x44: {  	v12 =	vsel vm5, v15, v12;
	v13 =	vsel vm6, v28, v13;
	v14 =	vsel vm7, v29, v14;
	v10 =	vld [tilespmem:s20+$0xFFFFFFB0]  }
0x45: {  	s21 =	sadd.s32 $0x80, s21;
	v25 =	vor.u32 s19, v4;
	v15 =	vor.u32 s19, v5;
	v23 =	vld [tilespmem:s20+$0xFFFFFFC0]  }
0x46: {  	v26 =	vor.u32 s19, v0;
	vm2 =	vgt.f32 v24, v16  }
0x47: {  	v27 =	vld [tilespmem:s20+$0xFFFFFFF0];
	v28 =	vor.u32 s19, v6;
	v29 =	vor.u32 s19, v1;
	v16 =	vsel vm2, v24, v16  }
0x48: {  	v17 =	vsel vm2, v26, v17;
	v24 =	vld [tilespmem:s20+$0x0];
	v26 =	vor.u32 s19, v7;
	_ =	swait.ge [sflag:s14], $0x1000;
	vm2 =	vgt.f32 v21, v16  }
0x49: {  	[sflag:s14] =	ssyncset.done $0x0;
	v16 =	vsel vm2, v21, v16;
	v17 =	vsel vm2, v25, v17;
	vm2 =	vgt.f32 v22, v18  }
0x4a: {  	s21 =	simm.s32 $0x2070;
	vm3 =	vgt.f32 v10, v19;
	[sflag:s14] =	ssyncadd.s32 $0xFFFFF000;
	vm4 =	vgt.f32 v23, v20;
	v21 =	vsel vm2, v22, v18  }
0x4b: {  	v10 =	vsel vm3, v10, v19;
	v18 =	vld [tilespmem:s21+$0xFFFFFFD0];
	v12 =	vsel vm2, v29, v12;
	v22 =	vsel vm4, v23, v20  }
0x4c: {  	v19 =	vld [tilespmem:s21+$0xFFFFFF90];
	vm5 =	vgt.f32 v11, v21;
	vm6 =	vgt.f32 v27, v10;
	v23 =	vor.u32 s19, v2  }
0x4d: {  	vm7 =	vgt.f32 v24, v22;
	v11 =	vsel vm5, v11, v21;
	v20 =	vsel vm6, v27, v10;
	v10 =	vld [tilespmem:s21+$0xFFFFFFE0]  }
0x4e: {  	s20 =	simm.s32 $0x2000;
	v13 =	vsel vm3, v23, v13;
	v23 =	vld [tilespmem:s21+$0xFFFFFFB0];
	v21 =	vsel vm7, v24, v22;
	v24 =	vor.u32 s19, v3  }
0x4f: {  	v25 =	vor.u32 s20, v4;
	v12 =	vsel vm5, v15, v12;
	v22 =	vld [tilespmem:s21+$0xFFFFFFA0];
	v14 =	vsel vm4, v24, v14  }
0x50: {  	v15 =	vor.u32 s20, v5;
	v13 =	vsel vm6, v28, v13;
	s19 =	simm.s32 $0x2080;
	v24 =	vld [tilespmem:s21+$0xFFFFFFC0];
	v14 =	vsel vm7, v26, v14  }
.LBB2_7:
0x51: {  	p0 =	sne.s32 s19, $0x2F80;
	v26 =	vor.u32 s20, v0;
	vm2 =	vgt.f32 v19, v16;
	v27 =	vld [tilespmem:s21+$0xFFFFFFF0];
	v28 =	vor.u32 s20, v6  }
0x52: {  	v29 =	vor.u32 s20, v7;
	v16 =	vsel vm2, v19, v16;
	v17 =	vsel vm2, v26, v17;
	v26 =	vld [tilespmem:s21+$0x0]  }
0x53: {  	v30 =	vor.u32 s20, v1;
	v31 =	vor.u32 s20, v2;
	vm2 =	vgt.f32 v18, v16  }
0x54: {  	v32 =	vor.u32 s20, v3;
	s20 =	smov.u32 s19;
	v16 =	vsel vm2, v18, v16;
	v17 =	vsel vm2, v25, v17  }
0x55: {  	s21 =	sadd.s32 $0x80, s21;
	vm2 =	vgt.f32 v22, v11;
	vm3 =	vgt.f32 v23, v20;
	vm4 =	vgt.f32 v24, v21  }
0x56: {  	v11 =	vsel vm2, v22, v11;
	v20 =	vsel vm3, v23, v20;
	v18 =	vld [tilespmem:s21+$0xFFFFFFD0];
	v21 =	vsel vm4, v24, v21  }
.Ltmp3:
0x57: {  	vm5 =	vgt.f32 v10, v11;
	vm6 =	vgt.f32 v27, v20;
	v19 =	vld [tilespmem:s21+$0xFFFFFF90];
	vm7 =	vgt.f32 v26, v21;
	(pc) =	sbr.rel @p0 .LBB2_7-.Ltmp3, $4  }
0x58: {  	v11 =	vsel vm5, v10, v11;
	v20 =	vsel vm6, v27, v20;
	v10 =	vld [tilespmem:s21+$0xFFFFFFE0];
	v21 =	vsel vm7, v26, v21  }
0x59: {  	v12 =	vsel vm2, v30, v12;
	v13 =	vsel vm3, v31, v13;
	v14 =	vsel vm4, v32, v14;
	v22 =	vld [tilespmem:s21+$0xFFFFFFA0]  }
0x5a: {  	v12 =	vsel vm5, v15, v12;
	v13 =	vsel vm6, v28, v13;
	v14 =	vsel vm7, v29, v14;
	v23 =	vld [tilespmem:s21+$0xFFFFFFB0]  }
0x5b: {  	s19 =	sadd.s32 $0x80, s19;
	v25 =	vor.u32 s20, v4;
	v15 =	vor.u32 s20, v5;
	v24 =	vld [tilespmem:s21+$0xFFFFFFC0]  }
0x5c: {  	v26 =	vor.u32 s20, v0;
	vm2 =	vgt.f32 v19, v16  }
0x5d: {  	v27 =	vld [tilespmem:s21+$0xFFFFFFF0];
	v28 =	vor.u32 s20, v6;
	v29 =	vor.u32 s20, v7;
	v16 =	vsel vm2, v19, v16  }
0x5e: {  	v30 =	vor.u32 s20, v1;
	v17 =	vsel vm2, v26, v17;
	v26 =	vld [tilespmem:s21+$0x0];
	_ =	swait.ge [sflag:s15], $0x1000;
	vm2 =	vgt.f32 v18, v16  }
0x5f: {  	[sflag:s15] =	ssyncset.done $0x0;
	v18 =	vsel vm2, v18, v16;
	v19 =	vsel vm2, v25, v17;
	vm2 =	vgt.f32 v22, v11  }
0x60: {  	s19 =	simm.s32 $0x3070;
	vm3 =	vgt.f32 v23, v20;
	[sflag:s15] =	ssyncadd.s32 $0xFFFFF000;
	vm4 =	vgt.f32 v24, v21;
	v11 =	vsel vm2, v22, v11  }
0x61: {  	v16 =	vsel vm3, v23, v20;
	v20 =	vld [tilespmem:s19+$0xFFFFFFD0];
	v23 =	vor.u32 s20, v3;
	v12 =	vsel vm2, v30, v12  }
0x62: {  	v22 =	vsel vm4, v24, v21;
	vm5 =	vgt.f32 v10, v11;
	vm6 =	vgt.f32 v27, v16;
	v24 =	vld [tilespmem:s19+$0xFFFFFF90]  }
0x63: {  	v14 =	vsel vm4, v23, v14;
	v23 =	vld [tilespmem:s19+$0xFFFFFFB0];
	vm7 =	vgt.f32 v26, v22;
	v21 =	vsel vm5, v10, v11  }
0x64: {  	v10 =	vor.u32 s20, v2;
	v17 =	vsel vm6, v27, v16;
	v16 =	vld [tilespmem:s19+$0xFFFFFFE0];
	s20 =	simm.s32 $0x3000;
	v11 =	vsel vm7, v26, v22  }
0x65: {  	v10 =	vsel vm3, v10, v13;
	v22 =	vld [tilespmem:s19+$0xFFFFFFA0];
	v13 =	vsel vm5, v15, v12;
	v25 =	vor.u32 s20, v4  }
0x66: {  	s21 =	simm.s32 $0x3080;
	v15 =	vor.u32 s20, v5;
	v12 =	vsel vm6, v28, v10;
	v10 =	vsel vm7, v29, v14;
	v14 =	vld [tilespmem:s19+$0xFFFFFFC0]  }
.LBB2_9:
0x67: {  	p0 =	sne.s32 s21, $0x3F80;
	v26 =	vor.u32 s20, v0;
	vm2 =	vgt.f32 v24, v18;
	v27 =	vld [tilespmem:s19+$0xFFFFFFF0];
	v28 =	vor.u32 s20, v6  }
0x68: {  	v29 =	vor.u32 s20, v7;
	v18 =	vsel vm2, v24, v18;
	v19 =	vsel vm2, v26, v19;
	v26 =	vld [tilespmem:s19+$0x0]  }
0x69: {  	v30 =	vor.u32 s20, v1;
	v31 =	vor.u32 s20, v2;
	vm2 =	vgt.f32 v20, v18  }
0x6a: {  	v32 =	vor.u32 s20, v3;
	s20 =	smov.u32 s21;
	v18 =	vsel vm2, v20, v18;
	v19 =	vsel vm2, v25, v19  }
0x6b: {  	s19 =	sadd.s32 $0x80, s19;
	vm2 =	vgt.f32 v22, v21;
	vm3 =	vgt.f32 v23, v17;
	vm4 =	vgt.f32 v14, v11  }
0x6c: {  	v21 =	vsel vm2, v22, v21;
	v17 =	vsel vm3, v23, v17;
	v20 =	vld [tilespmem:s19+$0xFFFFFFD0];
	v11 =	vsel vm4, v14, v11  }
.Ltmp4:
0x6d: {  	vm5 =	vgt.f32 v16, v21;
	vm6 =	vgt.f32 v27, v17;
	v24 =	vld [tilespmem:s19+$0xFFFFFF90];
	vm7 =	vgt.f32 v26, v11;
	(pc) =	sbr.rel @p0 .LBB2_9-.Ltmp4, $4  }
0x6e: {  	v21 =	vsel vm5, v16, v21;
	v17 =	vsel vm6, v27, v17;
	v16 =	vld [tilespmem:s19+$0xFFFFFFE0];
	v11 =	vsel vm7, v26, v11  }
0x6f: {  	v13 =	vsel vm2, v30, v13;
	v12 =	vsel vm3, v31, v12;
	v10 =	vsel vm4, v32, v10;
	v22 =	vld [tilespmem:s19+$0xFFFFFFA0]  }
0x70: {  	v13 =	vsel vm5, v15, v13;
	v12 =	vsel vm6, v28, v12;
	v10 =	vsel vm7, v29, v10;
	v23 =	vld [tilespmem:s19+$0xFFFFFFB0]  }
0x71: {  	s21 =	sadd.s32 $0x80, s21;
	v25 =	vor.u32 s20, v4;
	v15 =	vor.u32 s20, v5;
	v14 =	vld [tilespmem:s19+$0xFFFFFFC0]  }
0x72: {  	v26 =	vor.u32 s20, v0;
	vm2 =	vgt.f32 v24, v18  }
0x73: {  	v27 =	vor.u32 s20, v6;
	v53 =	vor.u32 s20, v7;
	v54 =	vor.u32 s20, v1  }
0x74: {  	v28 =	vor.u32 s20, v2;
	v30 =	vor.u32 s20, v3;
	v18 =	vsel vm2, v24, v18  }
0x75: {  	v29 =	vld [tilespmem:s19+$0xFFFFFFF0];
	v19 =	vsel vm2, v26, v19;
	vm2 =	vgt.f32 v20, v18;
	vm3 =	vgt.f32 v22, v21  }
0x76: {  	v18 =	vsel vm2, v20, v18;
	v19 =	vsel vm2, v25, v19;
	v55 =	vsel vm3, v22, v21  }
0x77: {  	vm2 =	vgt.f32 v23, v17;
	v13 =	vsel vm3, v54, v13;
	vm4 =	vgt.f32 v16, v55  }
0x78: {  	vm3 =	vgt.f32 v14, v11;
	v16 =	vsel vm4, v16, v55;
	v13 =	vsel vm4, v15, v13  }
0x79: {  	v56 =	vld [tilespmem:s19+$0x0];
	v17 =	vsel vm2, v23, v17;
	vm11 =	veq.f32 v16, v18;
	vm5 =	vlt.s32 v13, v19  }
0x7a: {  	vm6 =	vgt.f32 v29, v17;
	vm7 =	vgt.f32 v16, v18;
	vm4 =	vmand vm11, vm5  }
0x7b: {  	v12 =	vsel vm2, v28, v12;
	v17 =	vsel vm6, v29, v17;
	vm2 =	vmor vm7, vm4  }
0x7c: {  	v12 =	vsel vm6, v27, v12;
	v16 =	vsel vm2, v16, v18;
	v13 =	vsel vm2, v13, v19  }
0x7d: {  	v11 =	vsel vm3, v14, v11;
	vm2 =	veq.f32 v17, v16;
	vm12 =	vlt.s32 v12, v13  }
0x7e: {  	vm13 =	vgt.f32 v56, v11;
	vm14 =	vgt.f32 v17, v16;
	vm2 =	vmand vm2, vm12  }
0x7f: {  	v10 =	vsel vm3, v30, v10;
	v11 =	vsel vm13, v56, v11;
	vm2 =	vmor vm14, vm2  }
0x80: {  	v10 =	vsel vm13, v53, v10;
	v57 =	vsel vm2, v17, v16;
	v12 =	vsel vm2, v12, v13  }
0x81: {  	vm2 =	veq.f32 v11, v57;
	vm3 =	vlt.s32 v10, v12  }
0x82: {  	vm15 =	vgt.f32 v11, v57;
	vm2 =	vmand vm2, vm3  }
0x83: {  	vm2 =	vmor vm15, vm2  }
0x84: {  	v11 =	vsel vm2, v11, v57  }
0x85: {  	(xrf0) =	vmax.scan.msk.f32 $0xffff, v11;
	_ =	sdelay $0x5  }
0x86: {  	v58, _, _ =	vpop (xrf0)  }
0x87: {  	v13 =	vbroadcast v58, $0xF  }
0x88: {  	v10 =	vsel vm2, v10, v12  }
0x89: {  	v10 =	vxor.u32 $0x80000000, v10;
	vm2 =	veq.f32 v11, v13  }
0x8a: {  	v10 =	vnsel vm2, $0xC0000000, v10  }
0x8b: {  	(xrf0) =	vmin.scan.msk.u32 $0xffff, v10;
	_ =	sdelay $0x5  }
0x8c: {  	v10, _, _ =	vpop (xrf0)  }
0x8d: {  	(v2sf) =	vpush v10, $0xF;
	_ =	sdelay $0x5  }
0x8e: {  	v10 =	vsub.f32 $0.0e+00, v13;
	_ =	sdelay $0x1  }
0x8f: {  	v10 =	vmul.f32 $1.442695020e+00, v10;
	_ =	sdelay $0x1  }
0x90: {  	(erf) = vpow2.f32 v10;
	_ =	sdelay $0x4  }
0x91: {  	s31 =	spop (v2sf)  }
0x92: {  	s19 =	sxor.u32 $0x80000000, s31  }
0x93: {  	v10 =	vmov s19  }
0x94: {  	v10 =	vbroadcast v10, $0x0  }
0x95: {  	v11 =	vpop (erf)  }
0x96: {  	v11 =	vadd.f32 $1.000000000e+00, v11;
	v59 =	vshra.s32 v10, $0x1F  }
0x97: {  	v12 =	vshrl.u32 v59, $0x19  }
0x98: {  	(erf) = vrcp.f32 v11;
	v11 =	vadd.s32 v12, v10  }
0x99: {  	v11 =	vshra.s32 v11, $0x7  }
0x9a: {  	v60 =	vshll.u32 v11, $0x7  }
0x9b: {  	vm3 =	vlt.s32 v10, $0x1;
	vm2 =	vne.s32 v10, v60  }
0x9c: {  	vm2 =	vmand vm3, vm2  }
0x9d: {  	v61 =	vsel vm2, $0xFFFFFFFF, v8  }
0x9e: {  	v11 =	vadd.s32 v61, v11  }
0x9f: {  	v10 =	vand.u32 $0x7F, v10;
	v11 =	vcvt.s32.f32 v11  }
0xa0: {  	v10 =	vcvt.s32.f32 v10  }
0xa1: {  	v62 =	vpop (erf);
	v11 =	vmul.f32 $4.000000000e+00, v11  }
0xa2: {  	v63 =	vsel vm0, $0xBF800000, v62;
	v10 =	vmul.f32 $4.000000000e+00, v10  }
0xa3: {  	vm2 =	vmmov $0x1;
	v11 =	vsel vm1, v63, v11  }
0xa4: {  	s18 =	sadd.s32 $0x1, s18;
	v10 =	vsel vm2, v10, v11;
	vm2 =	vgt.f32 v62, $8.000000110e-01  }
0xa5: {  	p0 =	sne.s32 s18, s8;
	v10 =	vsel vm2, v10, v9  }
.Ltmp5:
0xa6: {  	[tilespmem:$0x4000] =	vst v10;
	(pc) =	sbr.rel @p0 .LBB2_2-.Ltmp5, $4  }
0xa7: {  	[hbm4b:s3+s2] =	stream.linear.scatter [tilespmem:s16], [sflag:$0x5], $0x80, $0x38;
	[tilespmem:$0x4080] =	vst v63  }
0xa8: {  	_ =	swait.ge [sflag:s17], $0x80  }
0xa9: {  	[sflag:s17] =	ssyncset.done $0x0  }
0xaa: {  	[sflag:s17] =	ssyncadd.s32 $0xFFFFFF80  }
.LBB2_11:
0xab: {  	_ =	sfence.sel $0x180000  }
0xac: {  	[bflag:$0x0] =	sbarrier.arrive $0xFFFF  }
0xad: {  	p0 =	sne.s32 s1, $0x0;
	_ =	strace $0x90000047  }
0xae: {  	s0 =	sadd.s32 @!p0 $0x100000, s0;
	[bflag:$0x2] =	sbarrier.arrive $0xFFFF  }
0xaf: {  	[sflag:s0] =	ssyncadd.tile.s32 @!p0 $0x1;
	_ =	shalt  }
.Lfunc_end2:
_tile_overlayer_lowered:
.L_overlay_start_2:
0xb0: {  	(tag) =	ssettag $0x2  }
0xb1: {  	s0 =	rddreg [dreg:$0x0];
	s2 =	stileid.u32  }
0xb2: {  	s1 =	rddreg [dreg:$0x1];
	p0 =	sne.s32 s2, $0x0  }
0xb3: {  	s3 =	rddreg [dreg:$0x2];
	[bflag:$0x3] =	sbarrier.arrive $0xFFFF;
	s2 =	simm.s32 @!p0 $0x1C05  }
0xb4: {  	[timem:s3], [sflag:s2] =	dma.local @!p0 [hbm:s0], s1  }
0xb5: {  	s0 =	simm.s32 @!p0 $0x5  }
0xb6: {  	_ =	swait.ge @!p0 [sflag:s0], s1  }
0xb7: {  	s1 =	ssub.s32 @!p0 $0x0, s1;
	[sflag:s0] =	ssyncset.done @!p0 $0x0  }
0xb8: {  	[sflag:s0] =	ssyncadd.s32 @!p0 s1  }
0xb9: {  	[bflag:$0x3] =	sbarrier.arrive $0xFFFF  }
0xba: {  	_ =	shalt  }

</sc_bundles>
